<compile_context>
chip_gen: v7x
topology: tpu7x:2x2x1
jax: 0.10.2.dev20260603
libtpu: 0.0.44.dev20260713+nightly
codegen_flags: <defaults>
</compile_context>

<pallas_src>
import functools

import jax
import jax.numpy as jnp
from jax import lax
from jax.experimental import pallas as pl
from jax.experimental.pallas import tpu as pltpu
from jax.experimental.pallas import tpu_sc as plsc

N = 10000
E = 160000
D = 256
H = 128
NC = 2
NS = 16
CH = 128
NBUF = 2

NPAD = 10240
ROWS_PER_SUB = NPAD // NS
EPAD = 163840
EDGES_PER_SUB = EPAD // NS
CHUNKS = EDGES_PER_SUB // CH
WB = CH


def _sc_aggregate(fp, srcp, dst3, zrows, zdeg, ones_in):
    mesh = plsc.VectorSubcoreMesh(core_axis_name="c", subcore_axis_name="s")

    @functools.partial(
        pl.kernel,
        out_type=[
            jax.ShapeDtypeStruct((2, NPAD, H), jnp.float32),
            jax.ShapeDtypeStruct((2 * NPAD,), jnp.float32),
        ],
        mesh=mesh,
        scratch_types=[
            pltpu.VMEM_SHARED((NPAD, H), jnp.float32),
            pltpu.VMEM_SHARED((NPAD,), jnp.float32),
            pltpu.VMEM((EDGES_PER_SUB,), jnp.int32),
            pltpu.VMEM((NBUF, CH), jnp.int32),
            pltpu.VMEM((NBUF, CH, H), jnp.float32),
            pltpu.VMEM((ROWS_PER_SUB,), jnp.float32),
            pltpu.VMEM((CH,), jnp.float32),
            [pltpu.SemaphoreType.DMA] * NBUF,
            [pltpu.SemaphoreType.DMA] * NBUF,
            pltpu.SemaphoreType.DMA,
        ],
    )
    def k(fp_hbm, src_hbm, dst_hbm, zrows_hbm, zdeg_hbm, ones_hbm,
          sum_hbm, deg_hbm,
          acc, degs, gv, dstr, rows, dz, ones, gsem, dsem, zsem):
        c = lax.axis_index("c")
        sid = lax.axis_index("s")

        pltpu.sync_copy(
            src_hbm.at[pl.ds(c * EPAD + sid * EDGES_PER_SUB, EDGES_PER_SUB)],
            gv)

        HALF = CHUNKS // 2

        def load_dst(t, b):
            pltpu.async_copy(dst_hbm.at[sid, t], dstr.at[b], dsem[b])

        def start_gather(t, b):
            pltpu.async_copy(
                fp_hbm.at[gv.at[pl.ds(t * CH, CH)]], rows.at[b], gsem[b])

        for b in range(NBUF):
            load_dst(b, b)
            start_gather(b, b)

        pltpu.sync_copy(ones_hbm, ones)
        for kk in range(ROWS_PER_SUB // WB):
            pltpu.async_copy(
                zrows_hbm, acc.at[pl.ds(sid * ROWS_PER_SUB + kk * WB, WB)], zsem)
        pltpu.async_copy(
            zdeg_hbm, degs.at[pl.ds(sid * ROWS_PER_SUB, ROWS_PER_SUB)], zsem)
        for kk in range(ROWS_PER_SUB // WB):
            pltpu.make_async_copy(
                zrows_hbm, acc.at[pl.ds(sid * ROWS_PER_SUB + kk * WB, WB)],
                zsem).wait()
        pltpu.make_async_copy(
            zdeg_hbm, degs.at[pl.ds(sid * ROWS_PER_SUB, ROWS_PER_SUB)],
            zsem).wait()
        plsc.subcore_barrier()

        def consume(t, b):
            pltpu.make_async_copy(
                fp_hbm.at[gv.at[pl.ds(t * CH, CH)]], rows.at[b], gsem[b]).wait()
            pltpu.make_async_copy(dst_hbm.at[sid, t], dstr.at[b], dsem[b]).wait()
            pltpu.sync_copy(rows.at[b], acc.at[dstr.at[b]], add=True)

            @pl.when((t // HALF) == c)
            def _():
                pltpu.sync_copy(ones, degs.at[dstr.at[b]], add=True)

        def outer(i, _):
            t0 = i * NBUF
            for b in range(NBUF):
                consume(t0 + b, b)
                start_gather(t0 + NBUF + b, b)
                load_dst(t0 + NBUF + b, b)
            return 0
        lax.fori_loop(0, CHUNKS // NBUF - 1, outer, 0)
        for b in range(NBUF):
            consume(CHUNKS - NBUF + b, b)

        plsc.subcore_barrier()

        for kk in range(ROWS_PER_SUB // WB):
            r0 = sid * ROWS_PER_SUB + kk * WB
            pltpu.async_copy(
                acc.at[pl.ds(r0, WB)], sum_hbm.at[c, pl.ds(r0, WB)], zsem)
        pltpu.async_copy(
            degs.at[pl.ds(sid * ROWS_PER_SUB, ROWS_PER_SUB)],
            deg_hbm.at[pl.ds(c * NPAD + sid * ROWS_PER_SUB, ROWS_PER_SUB)], zsem)
        for kk in range(ROWS_PER_SUB // WB):
            r0 = sid * ROWS_PER_SUB + kk * WB
            pltpu.make_async_copy(
                acc.at[pl.ds(r0, WB)], sum_hbm.at[c, pl.ds(r0, WB)], zsem).wait()
        pltpu.make_async_copy(
            degs.at[pl.ds(sid * ROWS_PER_SUB, ROWS_PER_SUB)],
            deg_hbm.at[pl.ds(c * NPAD + sid * ROWS_PER_SUB, ROWS_PER_SUB)],
            zsem).wait()

    return k(fp, srcp, dst3, zrows, zdeg, ones_in)


def _tc_self_body(feat_ref, wst_ref, b_ref, out_ref):
    out_ref[...] = jnp.dot(feat_ref[...], wst_ref[...],
                           preferred_element_type=jnp.float32) + b_ref[...]


def _tc_self(feat, wst, b):
    BM = 1000
    return pl.pallas_call(
        _tc_self_body,
        grid=(N // BM,),
        in_specs=[
            pl.BlockSpec((BM, D), lambda i: (i, 0)),
            pl.BlockSpec((D, D), lambda i: (0, 0)),
            pl.BlockSpec((1, D), lambda i: (0, 0)),
        ],
        out_specs=pl.BlockSpec((BM, D), lambda i: (i, 0)),
        out_shape=jax.ShapeDtypeStruct((N, D), jnp.float32),
    )(feat, wst, b)


def _tc_neigh_body(self_ref, sl_ref, sr_ref, d0_ref, d1_ref, wnl_ref, wnr_ref,
                   out_ref):
    inv = 1.0 / jnp.maximum(d0_ref[0] + d1_ref[0], 1.0)
    hl = sl_ref[0] * inv
    hr = sr_ref[0] * inv
    acc = jnp.dot(hl, wnl_ref[...], preferred_element_type=jnp.float32)
    acc += jnp.dot(hr, wnr_ref[...], preferred_element_type=jnp.float32)
    out_ref[...] = self_ref[...] + acc


def _tc_neigh(self_term, summed, deg, wnl, wnr):
    BM = 1000
    return pl.pallas_call(
        _tc_neigh_body,
        grid=(N // BM,),
        in_specs=[
            pl.BlockSpec((BM, D), lambda i: (i, 0)),
            pl.BlockSpec((1, BM, H), lambda i: (0, i, 0)),
            pl.BlockSpec((1, BM, H), lambda i: (1, i, 0)),
            pl.BlockSpec((1, BM, 1), lambda i: (0, i, 0)),
            pl.BlockSpec((1, BM, 1), lambda i: (1, i, 0)),
            pl.BlockSpec((H, D), lambda i: (0, 0)),
            pl.BlockSpec((H, D), lambda i: (0, 0)),
        ],
        out_specs=pl.BlockSpec((BM, D), lambda i: (i, 0)),
        out_shape=jax.ShapeDtypeStruct((N, D), jnp.float32),
    )(self_term, summed, summed, deg, deg, wnl, wnr)


def kernel(feat, edge_index, W_self, b_self, W_neigh, b_neigh):
    src = edge_index[0]
    dst = edge_index[1]
    srcpad = jnp.concatenate([src, jnp.zeros((EPAD - E,), jnp.int32)])
    srcp = jnp.concatenate([2 * srcpad, 2 * srcpad + 1])
    dst3 = jnp.concatenate([dst, jnp.full((EPAD - E,), N, jnp.int32)]
                           ).reshape(NS, CHUNKS, CH)
    fp = feat.reshape(2 * N, H)
    zrows = jnp.zeros((WB, H), jnp.float32)
    zdeg = jnp.zeros((ROWS_PER_SUB,), jnp.float32)
    ones_in = jnp.ones((CH,), jnp.float32)

    summed, deg1d = _sc_aggregate(fp, srcp, dst3, zrows, zdeg, ones_in)
    deg = deg1d.reshape(2, NPAD, 1)

    wst = W_self.T
    wnt = W_neigh.T
    b = (b_self + b_neigh).reshape(1, D)
    self_term = _tc_self(feat, wst, b)
    return _tc_neigh(self_term, summed, deg, wnt[:H], wnt[H:])

# --- scband reference (transcript-rebuilt; emitter-appended) ---
"""Pipeline reference for scband-sagegconv-5497558139440 (READ-ONLY COPY).

The authoritative reference and input builder live on the scoring server;
editing this copy changes nothing except your own understanding.
"""

import jax, jax.numpy as jnp
import numpy as np

N = 10000
E = 160000
D = 256
O = 256


def setup_inputs(seed: int = 0) -> dict:
    key = jax.random.key(seed)
    k1, k2, k3, k4, k5, k6 = jax.random.split(key, 6)
    feat = jax.random.normal(k1, (N, D), dtype=jnp.float32)
    edge_index = jax.random.randint(k2, (2, E), 0, N, dtype=jnp.int32)
    # Xavier-uniform-like init for linear weights (gain for relu)
    gain = float(np.sqrt(2.0))
    bound_self = gain * float(np.sqrt(6.0 / (D + O)))
    bound_neigh = gain * float(np.sqrt(6.0 / (D + O)))
    W_self = jax.random.uniform(k3, (O, D), dtype=jnp.float32, minval=-bound_self, maxval=bound_self)
    b_self = jnp.zeros((O,), dtype=jnp.float32)
    W_neigh = jax.random.uniform(k4, (O, D), dtype=jnp.float32, minval=-bound_neigh, maxval=bound_neigh)
    b_neigh = jnp.zeros((O,), dtype=jnp.float32)
    return {"feat": feat, "edge_index": edge_index, "W_self": W_self, "b_self": b_self, "W_neigh": W_neigh, "b_neigh": b_neigh}


def reference(feat, edge_index, W_self, b_self, W_neigh, b_neigh):
    # GraphSAGE with 'mean' aggregator:
    #   h_neigh[v] = mean over incoming edges (u->v) of feat[u]
    #   rst = fc_self(feat) + fc_neigh(h_neigh)
    src = edge_index[0]
    dst = edge_index[1]
    msg = jnp.take(feat, src, axis=0)                      # gather: copy_u
    summed = jax.ops.segment_sum(msg, dst, num_segments=N) # scatter-add
    deg = jax.ops.segment_sum(jnp.ones((E,), dtype=jnp.float32), dst, num_segments=N)
    h_neigh = summed / jnp.maximum(deg, 1.0)[:, None]      # mean reduce (0 for isolated nodes)
    rst = feat @ W_self.T + b_self + h_neigh @ W_neigh.T + b_neigh
    return rst

if __name__ == "__main__":
    import jax
    _d = setup_inputs()
    print(jax.jit(kernel)(*tuple(_d.values())))

</pallas_src>

<mosaic_0001>
#map = affine_map<(d0, d1) -> (0, 0)>
#map1 = affine_map<(d0, d1) -> (0)>
#map2 = affine_map<(d0, d1) -> (0, 0, 0)>
module attributes {stable_mosaic.version = 14 : i64} {
  func.func @k(%arg0: i32, %arg1: i32, %arg2: memref<20000x128xf32, #tpu.memory_space<hbm>>, %arg3: memref<327680xi32, #tpu.memory_space<hbm>>, %arg4: memref<16x80x128xi32, #tpu.memory_space<hbm>>, %arg5: memref<128x128xf32, #tpu.memory_space<hbm>>, %arg6: memref<640xf32, #tpu.memory_space<hbm>>, %arg7: memref<128xf32, #tpu.memory_space<hbm>>, %arg8: memref<2x10240x128xf32, #tpu.memory_space<hbm>>, %arg9: memref<20480xf32, #tpu.memory_space<hbm>>, %arg10: memref<10240x128xf32, #tpu.memory_space<vmem_shared>>, %arg11: memref<10240xf32, #tpu.memory_space<vmem_shared>>, %arg12: memref<10240xi32, #tpu.memory_space<vmem>>, %arg13: memref<2x128xi32, #tpu.memory_space<vmem>>, %arg14: memref<2x128x128xf32, #tpu.memory_space<vmem>>, %arg15: memref<640xf32, #tpu.memory_space<vmem>>, %arg16: memref<128xf32, #tpu.memory_space<vmem>>, %arg17: memref<!tpu.dma_semaphore, #tpu.memory_space<semaphore_mem>>, %arg18: memref<!tpu.dma_semaphore, #tpu.memory_space<semaphore_mem>>, %arg19: memref<!tpu.dma_semaphore, #tpu.memory_space<semaphore_mem>>, %arg20: memref<!tpu.dma_semaphore, #tpu.memory_space<semaphore_mem>>, %arg21: memref<!tpu.dma_semaphore, #tpu.memory_space<semaphore_mem>>) attributes {dimension_semantics = [#tpu.dimension_semantics<core_parallel>, #tpu.dimension_semantics<subcore_parallel>], iteration_bounds = array<i64: 2, 16>, scalar_prefetch = 0 : i64, scratch_operands = 12 : i64, tpu.core_type = #tpu.core_type<sc_vector_subcore>, window_params = [{transform_indices = #map}, {transform_indices = #map1}, {transform_indices = #map2}, {transform_indices = #map}, {transform_indices = #map1}, {transform_indices = #map1}, {transform_indices = #map2}, {transform_indices = #map1}]} {
    %mul3A = arith.constant 163840 : i32
    %mul3A_0 = arith.muli %arg0, %mul3A : i32
    %mul3A_1 = arith.constant 10240 : i32
    %mul3A_2 = arith.muli %arg1, %mul3A_1 : i32
    %add3A = arith.addi %mul3A_0, %mul3A_2 : i32
    "tpu.region"() ({
      %run_scoped3A_288 = tpu.sem_alloc : memref<!tpu.dma_semaphore, #tpu.memory_space<semaphore_mem>>
      %dma_start3A_289 = tpu.memref_slice %arg3[%add3A] : memref<327680xi32, #tpu.memory_space<hbm>> -> memref<10240xi32, #tpu.memory_space<hbm>>
      %dma_start3A_290 = tpu.memref_slice %arg3[%add3A] : memref<327680xi32, #tpu.memory_space<hbm>> -> memref<10240xi32, #tpu.memory_space<hbm>>
      tpu.enqueue_dma source(%dma_start3A_290 : memref<10240xi32, #tpu.memory_space<hbm>>) target(%arg12 : memref<10240xi32, #tpu.memory_space<vmem>>) target_semaphore(%run_scoped3A_288 : memref<!tpu.dma_semaphore, #tpu.memory_space<semaphore_mem>>)
      %dma_wait3A_291 = tpu.memref_slice %arg3[%add3A] : memref<327680xi32, #tpu.memory_space<hbm>> -> memref<10240xi32, #tpu.memory_space<hbm>>
      %dma_wait3A_292 = tpu.memref_slice %arg3[%add3A] : memref<327680xi32, #tpu.memory_space<hbm>> -> memref<10240xi32, #tpu.memory_space<hbm>>
      tpu.wait_dma2 semaphore(%run_scoped3A_288 : memref<!tpu.dma_semaphore, #tpu.memory_space<semaphore_mem>>) src(%dma_wait3A_292 : memref<10240xi32, #tpu.memory_space<hbm>>) dst(%arg12 : memref<10240xi32, #tpu.memory_space<vmem>>)
      tpu.yield
    }) : () -> ()
    %dma_start3A = arith.constant 0 : i32
    %dma_start3A_3 = arith.constant 0 : i32
    %dma_start3A_4 = arith.constant 0 : i32
    %dma_start3A_5 = tpu.memref_slice %arg13[%dma_start3A_3, %dma_start3A_4] : memref<2x128xi32, #tpu.memory_space<vmem>> -> memref<1x128xi32, #tpu.memory_space<vmem>>
    %dma_start3A_6 = tpu.memref_squeeze %dma_start3A_5 : memref<1x128xi32, #tpu.memory_space<vmem>> -> memref<128xi32, #tpu.memory_space<vmem>>
    %dma_start3A_7 = arith.constant 0 : i32
    %dma_start3A_8 = tpu.memref_slice %arg4[%arg1, %dma_start3A, %dma_start3A_7] : memref<16x80x128xi32, #tpu.memory_space<hbm>> -> memref<1x1x128xi32, #tpu.memory_space<hbm>>
    %dma_start3A_9 = tpu.memref_squeeze %dma_start3A_8 : memref<1x1x128xi32, #tpu.memory_space<hbm>> -> memref<128xi32, #tpu.memory_space<hbm>>
    %dma_start3A_10 = arith.constant 0 : i32
    %dma_start3A_11 = tpu.memref_slice %arg13[%dma_start3A_3, %dma_start3A_10] : memref<2x128xi32, #tpu.memory_space<vmem>> -> memref<1x128xi32, #tpu.memory_space<vmem>>
    %dma_start3A_12 = tpu.memref_squeeze %dma_start3A_11 : memref<1x128xi32, #tpu.memory_space<vmem>> -> memref<128xi32, #tpu.memory_space<vmem>>
    %dma_start3A_13 = arith.constant 0 : i32
    %dma_start3A_14 = tpu.memref_slice %arg4[%arg1, %dma_start3A, %dma_start3A_13] : memref<16x80x128xi32, #tpu.memory_space<hbm>> -> memref<1x1x128xi32, #tpu.memory_space<hbm>>
    %dma_start3A_15 = tpu.memref_squeeze %dma_start3A_14 : memref<1x1x128xi32, #tpu.memory_space<hbm>> -> memref<128xi32, #tpu.memory_space<hbm>>
    tpu.enqueue_dma source(%dma_start3A_15 : memref<128xi32, #tpu.memory_space<hbm>>) target(%dma_start3A_12 : memref<128xi32, #tpu.memory_space<vmem>>) target_semaphore(%arg19 : memref<!tpu.dma_semaphore, #tpu.memory_space<semaphore_mem>>)
    %dma_start3A_16 = arith.constant 0 : i32
    %dma_start3A_17 = arith.constant 0 : i32
    %dma_start3A_18 = arith.constant 0 : i32
    %dma_start3A_19 = tpu.memref_slice %arg14[%dma_start3A_16, %dma_start3A_17, %dma_start3A_18] : memref<2x128x128xf32, #tpu.memory_space<vmem>> -> memref<1x128x128xf32, #tpu.memory_space<vmem>>
    %dma_start3A_20 = tpu.memref_squeeze %dma_start3A_19 : memref<1x128x128xf32, #tpu.memory_space<vmem>> -> memref<128x128xf32, #tpu.memory_space<vmem>>
    %dma_start3A_21 = arith.constant 0 : i32
    %dma_start3A_22 = tpu.memref_slice %arg12[%dma_start3A_21] : memref<10240xi32, #tpu.memory_space<vmem>> -> memref<128xi32, #tpu.memory_space<vmem>>
    %dma_start3A_23 = arith.constant 0 : i32
    %dma_start3A_24 = arith.constant 0 : i32
    %dma_start3A_25 = tpu.memref_slice %arg2[%dma_start3A_23, %dma_start3A_24] : memref<20000x128xf32, #tpu.memory_space<hbm>> -> memref<20000x128xf32, #tpu.memory_space<hbm>>
    tpu.enqueue_indirect_dma source(%dma_start3A_25 : memref<20000x128xf32, #tpu.memory_space<hbm>>) target(%dma_start3A_20 : memref<128x128xf32, #tpu.memory_space<vmem>>) offsets(%dma_start3A_22 : memref<128xi32, #tpu.memory_space<vmem>>) semaphore(%arg17 : memref<!tpu.dma_semaphore, #tpu.memory_space<semaphore_mem>>)
    %dma_start3A_26 = arith.constant 1 : i32
    %dma_start3A_27 = arith.constant 1 : i32
    %dma_start3A_28 = arith.constant 0 : i32
    %dma_start3A_29 = tpu.memref_slice %arg13[%dma_start3A_27, %dma_start3A_28] : memref<2x128xi32, #tpu.memory_space<vmem>> -> memref<1x128xi32, #tpu.memory_space<vmem>>
    %dma_start3A_30 = tpu.memref_squeeze %dma_start3A_29 : memref<1x128xi32, #tpu.memory_space<vmem>> -> memref<128xi32, #tpu.memory_space<vmem>>
    %dma_start3A_31 = arith.constant 0 : i32
    %dma_start3A_32 = tpu.memref_slice %arg4[%arg1, %dma_start3A_26, %dma_start3A_31] : memref<16x80x128xi32, #tpu.memory_space<hbm>> -> memref<1x1x128xi32, #tpu.memory_space<hbm>>
    %dma_start3A_33 = tpu.memref_squeeze %dma_start3A_32 : memref<1x1x128xi32, #tpu.memory_space<hbm>> -> memref<128xi32, #tpu.memory_space<hbm>>
    %dma_start3A_34 = arith.constant 0 : i32
    %dma_start3A_35 = tpu.memref_slice %arg13[%dma_start3A_27, %dma_start3A_34] : memref<2x128xi32, #tpu.memory_space<vmem>> -> memref<1x128xi32, #tpu.memory_space<vmem>>
    %dma_start3A_36 = tpu.memref_squeeze %dma_start3A_35 : memref<1x128xi32, #tpu.memory_space<vmem>> -> memref<128xi32, #tpu.memory_space<vmem>>
    %dma_start3A_37 = arith.constant 0 : i32
    %dma_start3A_38 = tpu.memref_slice %arg4[%arg1, %dma_start3A_26, %dma_start3A_37] : memref<16x80x128xi32, #tpu.memory_space<hbm>> -> memref<1x1x128xi32, #tpu.memory_space<hbm>>
    %dma_start3A_39 = tpu.memref_squeeze %dma_start3A_38 : memref<1x1x128xi32, #tpu.memory_space<hbm>> -> memref<128xi32, #tpu.memory_space<hbm>>
    tpu.enqueue_dma source(%dma_start3A_39 : memref<128xi32, #tpu.memory_space<hbm>>) target(%dma_start3A_36 : memref<128xi32, #tpu.memory_space<vmem>>) target_semaphore(%arg20 : memref<!tpu.dma_semaphore, #tpu.memory_space<semaphore_mem>>)
    %dma_start3A_40 = arith.constant 1 : i32
    %dma_start3A_41 = arith.constant 0 : i32
    %dma_start3A_42 = arith.constant 0 : i32
    %dma_start3A_43 = tpu.memref_slice %arg14[%dma_start3A_40, %dma_start3A_41, %dma_start3A_42] : memref<2x128x128xf32, #tpu.memory_space<vmem>> -> memref<1x128x128xf32, #tpu.memory_space<vmem>>
    %dma_start3A_44 = tpu.memref_squeeze %dma_start3A_43 : memref<1x128x128xf32, #tpu.memory_space<vmem>> -> memref<128x128xf32, #tpu.memory_space<vmem>>
    %dma_start3A_45 = arith.constant 128 : i32
    %dma_start3A_46 = tpu.memref_slice %arg12[%dma_start3A_45] : memref<10240xi32, #tpu.memory_space<vmem>> -> memref<128xi32, #tpu.memory_space<vmem>>
    %dma_start3A_47 = arith.constant 0 : i32
    %dma_start3A_48 = arith.constant 0 : i32
    %dma_start3A_49 = tpu.memref_slice %arg2[%dma_start3A_47, %dma_start3A_48] : memref<20000x128xf32, #tpu.memory_space<hbm>> -> memref<20000x128xf32, #tpu.memory_space<hbm>>
    tpu.enqueue_indirect_dma source(%dma_start3A_49 : memref<20000x128xf32, #tpu.memory_space<hbm>>) target(%dma_start3A_44 : memref<128x128xf32, #tpu.memory_space<vmem>>) offsets(%dma_start3A_46 : memref<128xi32, #tpu.memory_space<vmem>>) semaphore(%arg18 : memref<!tpu.dma_semaphore, #tpu.memory_space<semaphore_mem>>)
    "tpu.region"() ({
      %run_scoped3A_288 = tpu.sem_alloc : memref<!tpu.dma_semaphore, #tpu.memory_space<semaphore_mem>>
      tpu.enqueue_dma source(%arg7 : memref<128xf32, #tpu.memory_space<hbm>>) target(%arg16 : memref<128xf32, #tpu.memory_space<vmem>>) target_semaphore(%run_scoped3A_288 : memref<!tpu.dma_semaphore, #tpu.memory_space<semaphore_mem>>)
      tpu.wait_dma2 semaphore(%run_scoped3A_288 : memref<!tpu.dma_semaphore, #tpu.memory_space<semaphore_mem>>) src(%arg7 : memref<128xf32, #tpu.memory_space<hbm>>) dst(%arg16 : memref<128xf32, #tpu.memory_space<vmem>>)
      tpu.yield
    }) : () -> ()
    %mul3A_50 = arith.constant 640 : i32
    %mul3A_51 = arith.muli %arg1, %mul3A_50 : i32
    %add3A_52 = arith.constant 0 : i32
    %add3A_53 = arith.addi %mul3A_51, %add3A_52 : i32
    %dma_start3A_54 = arith.constant 0 : i32
    %dma_start3A_55 = tpu.memref_slice %arg10[%add3A_53, %dma_start3A_54] : memref<10240x128xf32, #tpu.memory_space<vmem_shared>> -> memref<128x128xf32, #tpu.memory_space<vmem_shared>>
    tpu.enqueue_dma source(%arg5 : memref<128x128xf32, #tpu.memory_space<hbm>>) target(%dma_start3A_55 : memref<128x128xf32, #tpu.memory_space<vmem_shared>>) target_semaphore(%arg21 : memref<!tpu.dma_semaphore, #tpu.memory_space<semaphore_mem>>)
    %mul3A_56 = arith.constant 640 : i32
    %mul3A_57 = arith.muli %arg1, %mul3A_56 : i32
    %add3A_58 = arith.constant 128 : i32
    %add3A_59 = arith.addi %mul3A_57, %add3A_58 : i32
    %dma_start3A_60 = arith.constant 0 : i32
    %dma_start3A_61 = tpu.memref_slice %arg10[%add3A_59, %dma_start3A_60] : memref<10240x128xf32, #tpu.memory_space<vmem_shared>> -> memref<128x128xf32, #tpu.memory_space<vmem_shared>>
    tpu.enqueue_dma source(%arg5 : memref<128x128xf32, #tpu.memory_space<hbm>>) target(%dma_start3A_61 : memref<128x128xf32, #tpu.memory_space<vmem_shared>>) target_semaphore(%arg21 : memref<!tpu.dma_semaphore, #tpu.memory_space<semaphore_mem>>)
    %mul3A_62 = arith.constant 640 : i32
    %mul3A_63 = arith.muli %arg1, %mul3A_62 : i32
    %add3A_64 = arith.constant 256 : i32
    %add3A_65 = arith.addi %mul3A_63, %add3A_64 : i32
    %dma_start3A_66 = arith.constant 0 : i32
    %dma_start3A_67 = tpu.memref_slice %arg10[%add3A_65, %dma_start3A_66] : memref<10240x128xf32, #tpu.memory_space<vmem_shared>> -> memref<128x128xf32, #tpu.memory_space<vmem_shared>>
    tpu.enqueue_dma source(%arg5 : memref<128x128xf32, #tpu.memory_space<hbm>>) target(%dma_start3A_67 : memref<128x128xf32, #tpu.memory_space<vmem_shared>>) target_semaphore(%arg21 : memref<!tpu.dma_semaphore, #tpu.memory_space<semaphore_mem>>)
    %mul3A_68 = arith.constant 640 : i32
    %mul3A_69 = arith.muli %arg1, %mul3A_68 : i32
    %add3A_70 = arith.constant 384 : i32
    %add3A_71 = arith.addi %mul3A_69, %add3A_70 : i32
    %dma_start3A_72 = arith.constant 0 : i32
    %dma_start3A_73 = tpu.memref_slice %arg10[%add3A_71, %dma_start3A_72] : memref<10240x128xf32, #tpu.memory_space<vmem_shared>> -> memref<128x128xf32, #tpu.memory_space<vmem_shared>>
    tpu.enqueue_dma source(%arg5 : memref<128x128xf32, #tpu.memory_space<hbm>>) target(%dma_start3A_73 : memref<128x128xf32, #tpu.memory_space<vmem_shared>>) target_semaphore(%arg21 : memref<!tpu.dma_semaphore, #tpu.memory_space<semaphore_mem>>)
    %mul3A_74 = arith.constant 640 : i32
    %mul3A_75 = arith.muli %arg1, %mul3A_74 : i32
    %add3A_76 = arith.constant 512 : i32
    %add3A_77 = arith.addi %mul3A_75, %add3A_76 : i32
    %dma_start3A_78 = arith.constant 0 : i32
    %dma_start3A_79 = tpu.memref_slice %arg10[%add3A_77, %dma_start3A_78] : memref<10240x128xf32, #tpu.memory_space<vmem_shared>> -> memref<128x128xf32, #tpu.memory_space<vmem_shared>>
    tpu.enqueue_dma source(%arg5 : memref<128x128xf32, #tpu.memory_space<hbm>>) target(%dma_start3A_79 : memref<128x128xf32, #tpu.memory_space<vmem_shared>>) target_semaphore(%arg21 : memref<!tpu.dma_semaphore, #tpu.memory_space<semaphore_mem>>)
    %mul3A_80 = arith.constant 640 : i32
    %mul3A_81 = arith.muli %arg1, %mul3A_80 : i32
    %dma_start3A_82 = tpu.memref_slice %arg11[%mul3A_81] : memref<10240xf32, #tpu.memory_space<vmem_shared>> -> memref<640xf32, #tpu.memory_space<vmem_shared>>
    tpu.enqueue_dma source(%arg6 : memref<640xf32, #tpu.memory_space<hbm>>) target(%dma_start3A_82 : memref<640xf32, #tpu.memory_space<vmem_shared>>) target_semaphore(%arg21 : memref<!tpu.dma_semaphore, #tpu.memory_space<semaphore_mem>>)
    %mul3A_83 = arith.constant 640 : i32
    %mul3A_84 = arith.muli %arg1, %mul3A_83 : i32
    %add3A_85 = arith.constant 0 : i32
    %add3A_86 = arith.addi %mul3A_84, %add3A_85 : i32
    %dma_wait3A = arith.constant 0 : i32
    %dma_wait3A_87 = tpu.memref_slice %arg10[%add3A_86, %dma_wait3A] : memref<10240x128xf32, #tpu.memory_space<vmem_shared>> -> memref<128x128xf32, #tpu.memory_space<vmem_shared>>
    tpu.wait_dma2 semaphore(%arg21 : memref<!tpu.dma_semaphore, #tpu.memory_space<semaphore_mem>>) src(%arg5 : memref<128x128xf32, #tpu.memory_space<hbm>>) dst(%dma_wait3A_87 : memref<128x128xf32, #tpu.memory_space<vmem_shared>>)
    %mul3A_88 = arith.constant 640 : i32
    %mul3A_89 = arith.muli %arg1, %mul3A_88 : i32
    %add3A_90 = arith.constant 128 : i32
    %add3A_91 = arith.addi %mul3A_89, %add3A_90 : i32
    %dma_wait3A_92 = arith.constant 0 : i32
    %dma_wait3A_93 = tpu.memref_slice %arg10[%add3A_91, %dma_wait3A_92] : memref<10240x128xf32, #tpu.memory_space<vmem_shared>> -> memref<128x128xf32, #tpu.memory_space<vmem_shared>>
    tpu.wait_dma2 semaphore(%arg21 : memref<!tpu.dma_semaphore, #tpu.memory_space<semaphore_mem>>) src(%arg5 : memref<128x128xf32, #tpu.memory_space<hbm>>) dst(%dma_wait3A_93 : memref<128x128xf32, #tpu.memory_space<vmem_shared>>)
    %mul3A_94 = arith.constant 640 : i32
    %mul3A_95 = arith.muli %arg1, %mul3A_94 : i32
    %add3A_96 = arith.constant 256 : i32
    %add3A_97 = arith.addi %mul3A_95, %add3A_96 : i32
    %dma_wait3A_98 = arith.constant 0 : i32
    %dma_wait3A_99 = tpu.memref_slice %arg10[%add3A_97, %dma_wait3A_98] : memref<10240x128xf32, #tpu.memory_space<vmem_shared>> -> memref<128x128xf32, #tpu.memory_space<vmem_shared>>
    tpu.wait_dma2 semaphore(%arg21 : memref<!tpu.dma_semaphore, #tpu.memory_space<semaphore_mem>>) src(%arg5 : memref<128x128xf32, #tpu.memory_space<hbm>>) dst(%dma_wait3A_99 : memref<128x128xf32, #tpu.memory_space<vmem_shared>>)
    %mul3A_100 = arith.constant 640 : i32
    %mul3A_101 = arith.muli %arg1, %mul3A_100 : i32
    %add3A_102 = arith.constant 384 : i32
    %add3A_103 = arith.addi %mul3A_101, %add3A_102 : i32
    %dma_wait3A_104 = arith.constant 0 : i32
    %dma_wait3A_105 = tpu.memref_slice %arg10[%add3A_103, %dma_wait3A_104] : memref<10240x128xf32, #tpu.memory_space<vmem_shared>> -> memref<128x128xf32, #tpu.memory_space<vmem_shared>>
    tpu.wait_dma2 semaphore(%arg21 : memref<!tpu.dma_semaphore, #tpu.memory_space<semaphore_mem>>) src(%arg5 : memref<128x128xf32, #tpu.memory_space<hbm>>) dst(%dma_wait3A_105 : memref<128x128xf32, #tpu.memory_space<vmem_shared>>)
    %mul3A_106 = arith.constant 640 : i32
    %mul3A_107 = arith.muli %arg1, %mul3A_106 : i32
    %add3A_108 = arith.constant 512 : i32
    %add3A_109 = arith.addi %mul3A_107, %add3A_108 : i32
    %dma_wait3A_110 = arith.constant 0 : i32
    %dma_wait3A_111 = tpu.memref_slice %arg10[%add3A_109, %dma_wait3A_110] : memref<10240x128xf32, #tpu.memory_space<vmem_shared>> -> memref<128x128xf32, #tpu.memory_space<vmem_shared>>
    tpu.wait_dma2 semaphore(%arg21 : memref<!tpu.dma_semaphore, #tpu.memory_space<semaphore_mem>>) src(%arg5 : memref<128x128xf32, #tpu.memory_space<hbm>>) dst(%dma_wait3A_111 : memref<128x128xf32, #tpu.memory_space<vmem_shared>>)
    %mul3A_112 = arith.constant 640 : i32
    %mul3A_113 = arith.muli %arg1, %mul3A_112 : i32
    %dma_wait3A_114 = tpu.memref_slice %arg11[%mul3A_113] : memref<10240xf32, #tpu.memory_space<vmem_shared>> -> memref<640xf32, #tpu.memory_space<vmem_shared>>
    tpu.wait_dma2 semaphore(%arg21 : memref<!tpu.dma_semaphore, #tpu.memory_space<semaphore_mem>>) src(%arg6 : memref<640xf32, #tpu.memory_space<hbm>>) dst(%dma_wait3A_114 : memref<640xf32, #tpu.memory_space<vmem_shared>>)
    %barrier3A = arith.constant 0 : index
    tpu.barrier barrier_id(%barrier3A)
    %scan3A = arith.constant 0 : i32
    %scan3A_115 = arith.constant 0 : i32
    %scan3A_116 = arith.constant 39 : i32
    %scan3A_117 = arith.addi %scan3A_115, %scan3A_116 : i32
    %scan3A_118 = arith.constant 1 : i32
    %scan3A_119 = scf.for %scan3A_288 = %scan3A_115 to %scan3A_117 step %scan3A_118 iter_args(%scan3A_289 = %scan3A) -> (i32)  : i32 {
      %mul3A_290 = arith.constant 2 : i32
      %mul3A_291 = arith.muli %scan3A_288, %mul3A_290 : i32
      %add3A_292 = arith.constant 0 : i32
      %add3A_293 = arith.addi %mul3A_291, %add3A_292 : i32
      %mul3A_294 = arith.constant 128 : i32
      %mul3A_295 = arith.muli %add3A_293, %mul3A_294 : i32
      %dma_wait3A_296 = arith.constant 0 : i32
      %dma_wait3A_297 = arith.constant 0 : i32
      %dma_wait3A_298 = arith.constant 0 : i32
      %dma_wait3A_299 = tpu.memref_slice %arg14[%dma_wait3A_296, %dma_wait3A_297, %dma_wait3A_298] : memref<2x128x128xf32, #tpu.memory_space<vmem>> -> memref<1x128x128xf32, #tpu.memory_space<vmem>>
      %dma_wait3A_300 = tpu.memref_squeeze %dma_wait3A_299 : memref<1x128x128xf32, #tpu.memory_space<vmem>> -> memref<128x128xf32, #tpu.memory_space<vmem>>
      %dma_wait3A_301 = tpu.memref_slice %arg12[%mul3A_295] : memref<10240xi32, #tpu.memory_space<vmem>> -> memref<128xi32, #tpu.memory_space<vmem>>
      %dma_wait3A_302 = arith.constant 0 : i32
      %dma_wait3A_303 = arith.constant 0 : i32
      %dma_wait3A_304 = tpu.memref_slice %arg2[%dma_wait3A_302, %dma_wait3A_303] : memref<20000x128xf32, #tpu.memory_space<hbm>> -> memref<20000x128xf32, #tpu.memory_space<hbm>>
      tpu.wait_indirect_dma semaphore(%arg17 : memref<!tpu.dma_semaphore, #tpu.memory_space<semaphore_mem>>) src(%dma_wait3A_304 : memref<20000x128xf32, #tpu.memory_space<hbm>>) dst(%dma_wait3A_300 : memref<128x128xf32, #tpu.memory_space<vmem>>)
      %dma_wait3A_305 = arith.constant 0 : i32
      %dma_wait3A_306 = arith.constant 0 : i32
      %dma_wait3A_307 = tpu.memref_slice %arg13[%dma_wait3A_305, %dma_wait3A_306] : memref<2x128xi32, #tpu.memory_space<vmem>> -> memref<1x128xi32, #tpu.memory_space<vmem>>
      %dma_wait3A_308 = tpu.memref_squeeze %dma_wait3A_307 : memref<1x128xi32, #tpu.memory_space<vmem>> -> memref<128xi32, #tpu.memory_space<vmem>>
      %dma_wait3A_309 = arith.constant 0 : i32
      %dma_wait3A_310 = tpu.memref_slice %arg4[%arg1, %add3A_293, %dma_wait3A_309] : memref<16x80x128xi32, #tpu.memory_space<hbm>> -> memref<1x1x128xi32, #tpu.memory_space<hbm>>
      %dma_wait3A_311 = tpu.memref_squeeze %dma_wait3A_310 : memref<1x1x128xi32, #tpu.memory_space<hbm>> -> memref<128xi32, #tpu.memory_space<hbm>>
      %dma_wait3A_312 = arith.constant 0 : i32
      %dma_wait3A_313 = tpu.memref_slice %arg13[%dma_wait3A_305, %dma_wait3A_312] : memref<2x128xi32, #tpu.memory_space<vmem>> -> memref<1x128xi32, #tpu.memory_space<vmem>>
      %dma_wait3A_314 = tpu.memref_squeeze %dma_wait3A_313 : memref<1x128xi32, #tpu.memory_space<vmem>> -> memref<128xi32, #tpu.memory_space<vmem>>
      %dma_wait3A_315 = arith.constant 0 : i32
      %dma_wait3A_316 = tpu.memref_slice %arg4[%arg1, %add3A_293, %dma_wait3A_315] : memref<16x80x128xi32, #tpu.memory_space<hbm>> -> memref<1x1x128xi32, #tpu.memory_space<hbm>>
      %dma_wait3A_317 = tpu.memref_squeeze %dma_wait3A_316 : memref<1x1x128xi32, #tpu.memory_space<hbm>> -> memref<128xi32, #tpu.memory_space<hbm>>
      tpu.wait_dma2 semaphore(%arg19 : memref<!tpu.dma_semaphore, #tpu.memory_space<semaphore_mem>>) src(%dma_wait3A_317 : memref<128xi32, #tpu.memory_space<hbm>>) dst(%dma_wait3A_314 : memref<128xi32, #tpu.memory_space<vmem>>)
      %run_scoped3A_318 = arith.constant 0 : i32
      %run_scoped3A_319 = arith.constant 0 : i32
      "tpu.region"() ({
        %run_scoped3A_461 = tpu.sem_alloc : memref<!tpu.dma_semaphore, #tpu.memory_space<semaphore_mem>>
        %dma_start3A_462 = arith.constant 0 : i32
        %dma_start3A_463 = arith.constant 0 : i32
        %dma_start3A_464 = tpu.memref_slice %arg14[%run_scoped3A_318, %dma_start3A_462, %dma_start3A_463] : memref<2x128x128xf32, #tpu.memory_space<vmem>> -> memref<1x128x128xf32, #tpu.memory_space<vmem>>
        %dma_start3A_465 = tpu.memref_squeeze %dma_start3A_464 : memref<1x128x128xf32, #tpu.memory_space<vmem>> -> memref<128x128xf32, #tpu.memory_space<vmem>>
        %dma_start3A_466 = arith.constant 0 : i32
        %dma_start3A_467 = tpu.memref_slice %arg13[%run_scoped3A_319, %dma_start3A_466] : memref<2x128xi32, #tpu.memory_space<vmem>> -> memref<1x128xi32, #tpu.memory_space<vmem>>
        %dma_start3A_468 = tpu.memref_squeeze %dma_start3A_467 : memref<1x128xi32, #tpu.memory_space<vmem>> -> memref<128xi32, #tpu.memory_space<vmem>>
        %dma_start3A_469 = arith.constant 0 : i32
        %dma_start3A_470 = arith.constant 0 : i32
        %dma_start3A_471 = tpu.memref_slice %arg10[%dma_start3A_469, %dma_start3A_470] : memref<10240x128xf32, #tpu.memory_space<vmem_shared>> -> memref<10240x128xf32, #tpu.memory_space<vmem_shared>>
        tpu.enqueue_indirect_dma source(%dma_start3A_465 : memref<128x128xf32, #tpu.memory_space<vmem>>) target(%dma_start3A_471 : memref<10240x128xf32, #tpu.memory_space<vmem_shared>>) offsets(%dma_start3A_468 : memref<128xi32, #tpu.memory_space<vmem>>) semaphore(%run_scoped3A_461 : memref<!tpu.dma_semaphore, #tpu.memory_space<semaphore_mem>>) {add = true}
        %dma_wait3A_472 = arith.constant 0 : i32
        %dma_wait3A_473 = arith.constant 0 : i32
        %dma_wait3A_474 = tpu.memref_slice %arg14[%run_scoped3A_318, %dma_wait3A_472, %dma_wait3A_473] : memref<2x128x128xf32, #tpu.memory_space<vmem>> -> memref<1x128x128xf32, #tpu.memory_space<vmem>>
        %dma_wait3A_475 = tpu.memref_squeeze %dma_wait3A_474 : memref<1x128x128xf32, #tpu.memory_space<vmem>> -> memref<128x128xf32, #tpu.memory_space<vmem>>
        %dma_wait3A_476 = arith.constant 0 : i32
        %dma_wait3A_477 = tpu.memref_slice %arg13[%run_scoped3A_319, %dma_wait3A_476] : memref<2x128xi32, #tpu.memory_space<vmem>> -> memref<1x128xi32, #tpu.memory_space<vmem>>
        %dma_wait3A_478 = tpu.memref_squeeze %dma_wait3A_477 : memref<1x128xi32, #tpu.memory_space<vmem>> -> memref<128xi32, #tpu.memory_space<vmem>>
        %dma_wait3A_479 = arith.constant 0 : i32
        %dma_wait3A_480 = arith.constant 0 : i32
        %dma_wait3A_481 = tpu.memref_slice %arg10[%dma_wait3A_479, %dma_wait3A_480] : memref<10240x128xf32, #tpu.memory_space<vmem_shared>> -> memref<10240x128xf32, #tpu.memory_space<vmem_shared>>
        tpu.wait_indirect_dma semaphore(%run_scoped3A_461 : memref<!tpu.dma_semaphore, #tpu.memory_space<semaphore_mem>>) src(%dma_wait3A_475 : memref<128x128xf32, #tpu.memory_space<vmem>>) dst(%dma_wait3A_481 : memref<10240x128xf32, #tpu.memory_space<vmem_shared>>)
        tpu.yield
      }) : () -> ()
      %jit3A = arith.constant 40 : i32
      %div3A = arith.divsi %add3A_293, %jit3A : i32
      %sign3A = arith.constant 0 : i32
      %sign3A_320 = arith.cmpi sgt, %add3A_293, %sign3A : i32
      %sign3A_321 = arith.extui %sign3A_320 : i1 to i32
      %sign3A_322 = arith.constant 0 : i32
      %sign3A_323 = arith.cmpi slt, %add3A_293, %sign3A_322 : i32
      %sign3A_324 = arith.extui %sign3A_323 : i1 to i32
      %sign3A_325 = arith.subi %sign3A_321, %sign3A_324 : i32
      %sign3A_326 = arith.constant 0 : i32
      %sign3A_327 = arith.cmpi sgt, %jit3A, %sign3A_326 : i32
      %sign3A_328 = arith.extui %sign3A_327 : i1 to i32
      %sign3A_329 = arith.constant 0 : i32
      %sign3A_330 = arith.cmpi slt, %jit3A, %sign3A_329 : i32
      %sign3A_331 = arith.extui %sign3A_330 : i1 to i32
      %sign3A_332 = arith.subi %sign3A_328, %sign3A_331 : i32
      %ne3A = arith.cmpi ne, %sign3A_325, %sign3A_332 : i32
      %rem3A = arith.remsi %add3A_293, %jit3A : i32
      %ne3A_333 = arith.constant 0 : i32
      %ne3A_334 = arith.cmpi ne, %rem3A, %ne3A_333 : i32
      %and3A = arith.andi %ne3A, %ne3A_334 : i1
      %sub3A = arith.constant 1 : i32
      %sub3A_335 = arith.subi %div3A, %sub3A : i32
      %select_n3A = arith.select %and3A, %sub3A_335, %div3A : i32
      %eq3A_336 = arith.cmpi eq, %select_n3A, %arg0 : i32
      %convert_element_type3A_337 = arith.extui %eq3A_336 : i1 to i32
      %cond3A_338 = arith.constant 0 : i32
      %cond3A_339 = arith.cmpi ne, %convert_element_type3A_337, %cond3A_338 : i32
      scf.if %cond3A_339 {
        %run_scoped3A_461 = arith.constant 0 : i32
        "tpu.region"() ({
          %run_scoped3A_462 = tpu.sem_alloc : memref<!tpu.dma_semaphore, #tpu.memory_space<semaphore_mem>>
          %dma_start3A_463 = arith.constant 0 : i32
          %dma_start3A_464 = tpu.memref_slice %arg13[%run_scoped3A_461, %dma_start3A_463] : memref<2x128xi32, #tpu.memory_space<vmem>> -> memref<1x128xi32, #tpu.memory_space<vmem>>
          %dma_start3A_465 = tpu.memref_squeeze %dma_start3A_464 : memref<1x128xi32, #tpu.memory_space<vmem>> -> memref<128xi32, #tpu.memory_space<vmem>>
          %dma_start3A_466 = arith.constant 0 : i32
          %dma_start3A_467 = tpu.memref_slice %arg11[%dma_start3A_466] : memref<10240xf32, #tpu.memory_space<vmem_shared>> -> memref<10240xf32, #tpu.memory_space<vmem_shared>>
          tpu.enqueue_indirect_dma source(%arg16 : memref<128xf32, #tpu.memory_space<vmem>>) target(%dma_start3A_467 : memref<10240xf32, #tpu.memory_space<vmem_shared>>) offsets(%dma_start3A_465 : memref<128xi32, #tpu.memory_space<vmem>>) semaphore(%run_scoped3A_462 : memref<!tpu.dma_semaphore, #tpu.memory_space<semaphore_mem>>) {add = true}
          %dma_wait3A_468 = arith.constant 0 : i32
          %dma_wait3A_469 = tpu.memref_slice %arg13[%run_scoped3A_461, %dma_wait3A_468] : memref<2x128xi32, #tpu.memory_space<vmem>> -> memref<1x128xi32, #tpu.memory_space<vmem>>
          %dma_wait3A_470 = tpu.memref_squeeze %dma_wait3A_469 : memref<1x128xi32, #tpu.memory_space<vmem>> -> memref<128xi32, #tpu.memory_space<vmem>>
          %dma_wait3A_471 = arith.constant 0 : i32
          %dma_wait3A_472 = tpu.memref_slice %arg11[%dma_wait3A_471] : memref<10240xf32, #tpu.memory_space<vmem_shared>> -> memref<10240xf32, #tpu.memory_space<vmem_shared>>
          tpu.wait_indirect_dma semaphore(%run_scoped3A_462 : memref<!tpu.dma_semaphore, #tpu.memory_space<semaphore_mem>>) src(%arg16 : memref<128xf32, #tpu.memory_space<vmem>>) dst(%dma_wait3A_472 : memref<10240xf32, #tpu.memory_space<vmem_shared>>)
          tpu.yield
        }) : () -> ()
      } else {
      }
      %add3A_340 = arith.constant 2 : i32
      %add3A_341 = arith.addi %mul3A_291, %add3A_340 : i32
      %add3A_342 = arith.constant 0 : i32
      %add3A_343 = arith.addi %add3A_341, %add3A_342 : i32
      %mul3A_344 = arith.constant 128 : i32
      %mul3A_345 = arith.muli %add3A_343, %mul3A_344 : i32
      %dma_start3A_346 = arith.constant 0 : i32
      %dma_start3A_347 = arith.constant 0 : i32
      %dma_start3A_348 = arith.constant 0 : i32
      %dma_start3A_349 = tpu.memref_slice %arg14[%dma_start3A_346, %dma_start3A_347, %dma_start3A_348] : memref<2x128x128xf32, #tpu.memory_space<vmem>> -> memref<1x128x128xf32, #tpu.memory_space<vmem>>
      %dma_start3A_350 = tpu.memref_squeeze %dma_start3A_349 : memref<1x128x128xf32, #tpu.memory_space<vmem>> -> memref<128x128xf32, #tpu.memory_space<vmem>>
      %dma_start3A_351 = tpu.memref_slice %arg12[%mul3A_345] : memref<10240xi32, #tpu.memory_space<vmem>> -> memref<128xi32, #tpu.memory_space<vmem>>
      %dma_start3A_352 = arith.constant 0 : i32
      %dma_start3A_353 = arith.constant 0 : i32
      %dma_start3A_354 = tpu.memref_slice %arg2[%dma_start3A_352, %dma_start3A_353] : memref<20000x128xf32, #tpu.memory_space<hbm>> -> memref<20000x128xf32, #tpu.memory_space<hbm>>
      tpu.enqueue_indirect_dma source(%dma_start3A_354 : memref<20000x128xf32, #tpu.memory_space<hbm>>) target(%dma_start3A_350 : memref<128x128xf32, #tpu.memory_space<vmem>>) offsets(%dma_start3A_351 : memref<128xi32, #tpu.memory_space<vmem>>) semaphore(%arg17 : memref<!tpu.dma_semaphore, #tpu.memory_space<semaphore_mem>>)
      %add3A_355 = arith.constant 2 : i32
      %add3A_356 = arith.addi %mul3A_291, %add3A_355 : i32
      %add3A_357 = arith.constant 0 : i32
      %add3A_358 = arith.addi %add3A_356, %add3A_357 : i32
      %dma_start3A_359 = arith.constant 0 : i32
      %dma_start3A_360 = arith.constant 0 : i32
      %dma_start3A_361 = tpu.memref_slice %arg13[%dma_start3A_359, %dma_start3A_360] : memref<2x128xi32, #tpu.memory_space<vmem>> -> memref<1x128xi32, #tpu.memory_space<vmem>>
      %dma_start3A_362 = tpu.memref_squeeze %dma_start3A_361 : memref<1x128xi32, #tpu.memory_space<vmem>> -> memref<128xi32, #tpu.memory_space<vmem>>
      %dma_start3A_363 = arith.constant 0 : i32
      %dma_start3A_364 = tpu.memref_slice %arg4[%arg1, %add3A_358, %dma_start3A_363] : memref<16x80x128xi32, #tpu.memory_space<hbm>> -> memref<1x1x128xi32, #tpu.memory_space<hbm>>
      %dma_start3A_365 = tpu.memref_squeeze %dma_start3A_364 : memref<1x1x128xi32, #tpu.memory_space<hbm>> -> memref<128xi32, #tpu.memory_space<hbm>>
      %dma_start3A_366 = arith.constant 0 : i32
      %dma_start3A_367 = tpu.memref_slice %arg13[%dma_start3A_359, %dma_start3A_366] : memref<2x128xi32, #tpu.memory_space<vmem>> -> memref<1x128xi32, #tpu.memory_space<vmem>>
      %dma_start3A_368 = tpu.memref_squeeze %dma_start3A_367 : memref<1x128xi32, #tpu.memory_space<vmem>> -> memref<128xi32, #tpu.memory_space<vmem>>
      %dma_start3A_369 = arith.constant 0 : i32
      %dma_start3A_370 = tpu.memref_slice %arg4[%arg1, %add3A_358, %dma_start3A_369] : memref<16x80x128xi32, #tpu.memory_space<hbm>> -> memref<1x1x128xi32, #tpu.memory_space<hbm>>
      %dma_start3A_371 = tpu.memref_squeeze %dma_start3A_370 : memref<1x1x128xi32, #tpu.memory_space<hbm>> -> memref<128xi32, #tpu.memory_space<hbm>>
      tpu.enqueue_dma source(%dma_start3A_371 : memref<128xi32, #tpu.memory_space<hbm>>) target(%dma_start3A_368 : memref<128xi32, #tpu.memory_space<vmem>>) target_semaphore(%arg19 : memref<!tpu.dma_semaphore, #tpu.memory_space<semaphore_mem>>)
      %add3A_372 = arith.constant 1 : i32
      %add3A_373 = arith.addi %mul3A_291, %add3A_372 : i32
      %mul3A_374 = arith.constant 128 : i32
      %mul3A_375 = arith.muli %add3A_373, %mul3A_374 : i32
      %dma_wait3A_376 = arith.constant 1 : i32
      %dma_wait3A_377 = arith.constant 0 : i32
      %dma_wait3A_378 = arith.constant 0 : i32
      %dma_wait3A_379 = tpu.memref_slice %arg14[%dma_wait3A_376, %dma_wait3A_377, %dma_wait3A_378] : memref<2x128x128xf32, #tpu.memory_space<vmem>> -> memref<1x128x128xf32, #tpu.memory_space<vmem>>
      %dma_wait3A_380 = tpu.memref_squeeze %dma_wait3A_379 : memref<1x128x128xf32, #tpu.memory_space<vmem>> -> memref<128x128xf32, #tpu.memory_space<vmem>>
      %dma_wait3A_381 = tpu.memref_slice %arg12[%mul3A_375] : memref<10240xi32, #tpu.memory_space<vmem>> -> memref<128xi32, #tpu.memory_space<vmem>>
      %dma_wait3A_382 = arith.constant 0 : i32
      %dma_wait3A_383 = arith.constant 0 : i32
      %dma_wait3A_384 = tpu.memref_slice %arg2[%dma_wait3A_382, %dma_wait3A_383] : memref<20000x128xf32, #tpu.memory_space<hbm>> -> memref<20000x128xf32, #tpu.memory_space<hbm>>
      tpu.wait_indirect_dma semaphore(%arg18 : memref<!tpu.dma_semaphore, #tpu.memory_space<semaphore_mem>>) src(%dma_wait3A_384 : memref<20000x128xf32, #tpu.memory_space<hbm>>) dst(%dma_wait3A_380 : memref<128x128xf32, #tpu.memory_space<vmem>>)
      %dma_wait3A_385 = arith.constant 1 : i32
      %dma_wait3A_386 = arith.constant 0 : i32
      %dma_wait3A_387 = tpu.memref_slice %arg13[%dma_wait3A_385, %dma_wait3A_386] : memref<2x128xi32, #tpu.memory_space<vmem>> -> memref<1x128xi32, #tpu.memory_space<vmem>>
      %dma_wait3A_388 = tpu.memref_squeeze %dma_wait3A_387 : memref<1x128xi32, #tpu.memory_space<vmem>> -> memref<128xi32, #tpu.memory_space<vmem>>
      %dma_wait3A_389 = arith.constant 0 : i32
      %dma_wait3A_390 = tpu.memref_slice %arg4[%arg1, %add3A_373, %dma_wait3A_389] : memref<16x80x128xi32, #tpu.memory_space<hbm>> -> memref<1x1x128xi32, #tpu.memory_space<hbm>>
      %dma_wait3A_391 = tpu.memref_squeeze %dma_wait3A_390 : memref<1x1x128xi32, #tpu.memory_space<hbm>> -> memref<128xi32, #tpu.memory_space<hbm>>
      %dma_wait3A_392 = arith.constant 0 : i32
      %dma_wait3A_393 = tpu.memref_slice %arg13[%dma_wait3A_385, %dma_wait3A_392] : memref<2x128xi32, #tpu.memory_space<vmem>> -> memref<1x128xi32, #tpu.memory_space<vmem>>
      %dma_wait3A_394 = tpu.memref_squeeze %dma_wait3A_393 : memref<1x128xi32, #tpu.memory_space<vmem>> -> memref<128xi32, #tpu.memory_space<vmem>>
      %dma_wait3A_395 = arith.constant 0 : i32
      %dma_wait3A_396 = tpu.memref_slice %arg4[%arg1, %add3A_373, %dma_wait3A_395] : memref<16x80x128xi32, #tpu.memory_space<hbm>> -> memref<1x1x128xi32, #tpu.memory_space<hbm>>
      %dma_wait3A_397 = tpu.memref_squeeze %dma_wait3A_396 : memref<1x1x128xi32, #tpu.memory_space<hbm>> -> memref<128xi32, #tpu.memory_space<hbm>>
      tpu.wait_dma2 semaphore(%arg20 : memref<!tpu.dma_semaphore, #tpu.memory_space<semaphore_mem>>) src(%dma_wait3A_397 : memref<128xi32, #tpu.memory_space<hbm>>) dst(%dma_wait3A_394 : memref<128xi32, #tpu.memory_space<vmem>>)
      %run_scoped3A_398 = arith.constant 1 : i32
      %run_scoped3A_399 = arith.constant 1 : i32
      "tpu.region"() ({
        %run_scoped3A_461 = tpu.sem_alloc : memref<!tpu.dma_semaphore, #tpu.memory_space<semaphore_mem>>
        %dma_start3A_462 = arith.constant 0 : i32
        %dma_start3A_463 = arith.constant 0 : i32
        %dma_start3A_464 = tpu.memref_slice %arg14[%run_scoped3A_398, %dma_start3A_462, %dma_start3A_463] : memref<2x128x128xf32, #tpu.memory_space<vmem>> -> memref<1x128x128xf32, #tpu.memory_space<vmem>>
        %dma_start3A_465 = tpu.memref_squeeze %dma_start3A_464 : memref<1x128x128xf32, #tpu.memory_space<vmem>> -> memref<128x128xf32, #tpu.memory_space<vmem>>
        %dma_start3A_466 = arith.constant 0 : i32
        %dma_start3A_467 = tpu.memref_slice %arg13[%run_scoped3A_399, %dma_start3A_466] : memref<2x128xi32, #tpu.memory_space<vmem>> -> memref<1x128xi32, #tpu.memory_space<vmem>>
        %dma_start3A_468 = tpu.memref_squeeze %dma_start3A_467 : memref<1x128xi32, #tpu.memory_space<vmem>> -> memref<128xi32, #tpu.memory_space<vmem>>
        %dma_start3A_469 = arith.constant 0 : i32
        %dma_start3A_470 = arith.constant 0 : i32
        %dma_start3A_471 = tpu.memref_slice %arg10[%dma_start3A_469, %dma_start3A_470] : memref<10240x128xf32, #tpu.memory_space<vmem_shared>> -> memref<10240x128xf32, #tpu.memory_space<vmem_shared>>
        tpu.enqueue_indirect_dma source(%dma_start3A_465 : memref<128x128xf32, #tpu.memory_space<vmem>>) target(%dma_start3A_471 : memref<10240x128xf32, #tpu.memory_space<vmem_shared>>) offsets(%dma_start3A_468 : memref<128xi32, #tpu.memory_space<vmem>>) semaphore(%run_scoped3A_461 : memref<!tpu.dma_semaphore, #tpu.memory_space<semaphore_mem>>) {add = true}
        %dma_wait3A_472 = arith.constant 0 : i32
        %dma_wait3A_473 = arith.constant 0 : i32
        %dma_wait3A_474 = tpu.memref_slice %arg14[%run_scoped3A_398, %dma_wait3A_472, %dma_wait3A_473] : memref<2x128x128xf32, #tpu.memory_space<vmem>> -> memref<1x128x128xf32, #tpu.memory_space<vmem>>
        %dma_wait3A_475 = tpu.memref_squeeze %dma_wait3A_474 : memref<1x128x128xf32, #tpu.memory_space<vmem>> -> memref<128x128xf32, #tpu.memory_space<vmem>>
        %dma_wait3A_476 = arith.constant 0 : i32
        %dma_wait3A_477 = tpu.memref_slice %arg13[%run_scoped3A_399, %dma_wait3A_476] : memref<2x128xi32, #tpu.memory_space<vmem>> -> memref<1x128xi32, #tpu.memory_space<vmem>>
        %dma_wait3A_478 = tpu.memref_squeeze %dma_wait3A_477 : memref<1x128xi32, #tpu.memory_space<vmem>> -> memref<128xi32, #tpu.memory_space<vmem>>
        %dma_wait3A_479 = arith.constant 0 : i32
        %dma_wait3A_480 = arith.constant 0 : i32
        %dma_wait3A_481 = tpu.memref_slice %arg10[%dma_wait3A_479, %dma_wait3A_480] : memref<10240x128xf32, #tpu.memory_space<vmem_shared>> -> memref<10240x128xf32, #tpu.memory_space<vmem_shared>>
        tpu.wait_indirect_dma semaphore(%run_scoped3A_461 : memref<!tpu.dma_semaphore, #tpu.memory_space<semaphore_mem>>) src(%dma_wait3A_475 : memref<128x128xf32, #tpu.memory_space<vmem>>) dst(%dma_wait3A_481 : memref<10240x128xf32, #tpu.memory_space<vmem_shared>>)
        tpu.yield
      }) : () -> ()
      %jit3A_400 = arith.constant 40 : i32
      %div3A_401 = arith.divsi %add3A_373, %jit3A_400 : i32
      %sign3A_402 = arith.constant 0 : i32
      %sign3A_403 = arith.cmpi sgt, %add3A_373, %sign3A_402 : i32
      %sign3A_404 = arith.extui %sign3A_403 : i1 to i32
      %sign3A_405 = arith.constant 0 : i32
      %sign3A_406 = arith.cmpi slt, %add3A_373, %sign3A_405 : i32
      %sign3A_407 = arith.extui %sign3A_406 : i1 to i32
      %sign3A_408 = arith.subi %sign3A_404, %sign3A_407 : i32
      %sign3A_409 = arith.constant 0 : i32
      %sign3A_410 = arith.cmpi sgt, %jit3A_400, %sign3A_409 : i32
      %sign3A_411 = arith.extui %sign3A_410 : i1 to i32
      %sign3A_412 = arith.constant 0 : i32
      %sign3A_413 = arith.cmpi slt, %jit3A_400, %sign3A_412 : i32
      %sign3A_414 = arith.extui %sign3A_413 : i1 to i32
      %sign3A_415 = arith.subi %sign3A_411, %sign3A_414 : i32
      %ne3A_416 = arith.cmpi ne, %sign3A_408, %sign3A_415 : i32
      %rem3A_417 = arith.remsi %add3A_373, %jit3A_400 : i32
      %ne3A_418 = arith.constant 0 : i32
      %ne3A_419 = arith.cmpi ne, %rem3A_417, %ne3A_418 : i32
      %and3A_420 = arith.andi %ne3A_416, %ne3A_419 : i1
      %sub3A_421 = arith.constant 1 : i32
      %sub3A_422 = arith.subi %div3A_401, %sub3A_421 : i32
      %select_n3A_423 = arith.select %and3A_420, %sub3A_422, %div3A_401 : i32
      %eq3A_424 = arith.cmpi eq, %select_n3A_423, %arg0 : i32
      %convert_element_type3A_425 = arith.extui %eq3A_424 : i1 to i32
      %cond3A_426 = arith.constant 0 : i32
      %cond3A_427 = arith.cmpi ne, %convert_element_type3A_425, %cond3A_426 : i32
      scf.if %cond3A_427 {
        %run_scoped3A_461 = arith.constant 1 : i32
        "tpu.region"() ({
          %run_scoped3A_462 = tpu.sem_alloc : memref<!tpu.dma_semaphore, #tpu.memory_space<semaphore_mem>>
          %dma_start3A_463 = arith.constant 0 : i32
          %dma_start3A_464 = tpu.memref_slice %arg13[%run_scoped3A_461, %dma_start3A_463] : memref<2x128xi32, #tpu.memory_space<vmem>> -> memref<1x128xi32, #tpu.memory_space<vmem>>
          %dma_start3A_465 = tpu.memref_squeeze %dma_start3A_464 : memref<1x128xi32, #tpu.memory_space<vmem>> -> memref<128xi32, #tpu.memory_space<vmem>>
          %dma_start3A_466 = arith.constant 0 : i32
          %dma_start3A_467 = tpu.memref_slice %arg11[%dma_start3A_466] : memref<10240xf32, #tpu.memory_space<vmem_shared>> -> memref<10240xf32, #tpu.memory_space<vmem_shared>>
          tpu.enqueue_indirect_dma source(%arg16 : memref<128xf32, #tpu.memory_space<vmem>>) target(%dma_start3A_467 : memref<10240xf32, #tpu.memory_space<vmem_shared>>) offsets(%dma_start3A_465 : memref<128xi32, #tpu.memory_space<vmem>>) semaphore(%run_scoped3A_462 : memref<!tpu.dma_semaphore, #tpu.memory_space<semaphore_mem>>) {add = true}
          %dma_wait3A_468 = arith.constant 0 : i32
          %dma_wait3A_469 = tpu.memref_slice %arg13[%run_scoped3A_461, %dma_wait3A_468] : memref<2x128xi32, #tpu.memory_space<vmem>> -> memref<1x128xi32, #tpu.memory_space<vmem>>
          %dma_wait3A_470 = tpu.memref_squeeze %dma_wait3A_469 : memref<1x128xi32, #tpu.memory_space<vmem>> -> memref<128xi32, #tpu.memory_space<vmem>>
          %dma_wait3A_471 = arith.constant 0 : i32
          %dma_wait3A_472 = tpu.memref_slice %arg11[%dma_wait3A_471] : memref<10240xf32, #tpu.memory_space<vmem_shared>> -> memref<10240xf32, #tpu.memory_space<vmem_shared>>
          tpu.wait_indirect_dma semaphore(%run_scoped3A_462 : memref<!tpu.dma_semaphore, #tpu.memory_space<semaphore_mem>>) src(%arg16 : memref<128xf32, #tpu.memory_space<vmem>>) dst(%dma_wait3A_472 : memref<10240xf32, #tpu.memory_space<vmem_shared>>)
          tpu.yield
        }) : () -> ()
      } else {
      }
      %add3A_428 = arith.constant 2 : i32
      %add3A_429 = arith.addi %mul3A_291, %add3A_428 : i32
      %add3A_430 = arith.constant 1 : i32
      %add3A_431 = arith.addi %add3A_429, %add3A_430 : i32
      %mul3A_432 = arith.constant 128 : i32
      %mul3A_433 = arith.muli %add3A_431, %mul3A_432 : i32
      %dma_start3A_434 = arith.constant 1 : i32
      %dma_start3A_435 = arith.constant 0 : i32
      %dma_start3A_436 = arith.constant 0 : i32
      %dma_start3A_437 = tpu.memref_slice %arg14[%dma_start3A_434, %dma_start3A_435, %dma_start3A_436] : memref<2x128x128xf32, #tpu.memory_space<vmem>> -> memref<1x128x128xf32, #tpu.memory_space<vmem>>
      %dma_start3A_438 = tpu.memref_squeeze %dma_start3A_437 : memref<1x128x128xf32, #tpu.memory_space<vmem>> -> memref<128x128xf32, #tpu.memory_space<vmem>>
      %dma_start3A_439 = tpu.memref_slice %arg12[%mul3A_433] : memref<10240xi32, #tpu.memory_space<vmem>> -> memref<128xi32, #tpu.memory_space<vmem>>
      %dma_start3A_440 = arith.constant 0 : i32
      %dma_start3A_441 = arith.constant 0 : i32
      %dma_start3A_442 = tpu.memref_slice %arg2[%dma_start3A_440, %dma_start3A_441] : memref<20000x128xf32, #tpu.memory_space<hbm>> -> memref<20000x128xf32, #tpu.memory_space<hbm>>
      tpu.enqueue_indirect_dma source(%dma_start3A_442 : memref<20000x128xf32, #tpu.memory_space<hbm>>) target(%dma_start3A_438 : memref<128x128xf32, #tpu.memory_space<vmem>>) offsets(%dma_start3A_439 : memref<128xi32, #tpu.memory_space<vmem>>) semaphore(%arg18 : memref<!tpu.dma_semaphore, #tpu.memory_space<semaphore_mem>>)
      %add3A_443 = arith.constant 2 : i32
      %add3A_444 = arith.addi %mul3A_291, %add3A_443 : i32
      %add3A_445 = arith.constant 1 : i32
      %add3A_446 = arith.addi %add3A_444, %add3A_445 : i32
      %dma_start3A_447 = arith.constant 1 : i32
      %dma_start3A_448 = arith.constant 0 : i32
      %dma_start3A_449 = tpu.memref_slice %arg13[%dma_start3A_447, %dma_start3A_448] : memref<2x128xi32, #tpu.memory_space<vmem>> -> memref<1x128xi32, #tpu.memory_space<vmem>>
      %dma_start3A_450 = tpu.memref_squeeze %dma_start3A_449 : memref<1x128xi32, #tpu.memory_space<vmem>> -> memref<128xi32, #tpu.memory_space<vmem>>
      %dma_start3A_451 = arith.constant 0 : i32
      %dma_start3A_452 = tpu.memref_slice %arg4[%arg1, %add3A_446, %dma_start3A_451] : memref<16x80x128xi32, #tpu.memory_space<hbm>> -> memref<1x1x128xi32, #tpu.memory_space<hbm>>
      %dma_start3A_453 = tpu.memref_squeeze %dma_start3A_452 : memref<1x1x128xi32, #tpu.memory_space<hbm>> -> memref<128xi32, #tpu.memory_space<hbm>>
      %dma_start3A_454 = arith.constant 0 : i32
      %dma_start3A_455 = tpu.memref_slice %arg13[%dma_start3A_447, %dma_start3A_454] : memref<2x128xi32, #tpu.memory_space<vmem>> -> memref<1x128xi32, #tpu.memory_space<vmem>>
      %dma_start3A_456 = tpu.memref_squeeze %dma_start3A_455 : memref<1x128xi32, #tpu.memory_space<vmem>> -> memref<128xi32, #tpu.memory_space<vmem>>
      %dma_start3A_457 = arith.constant 0 : i32
      %dma_start3A_458 = tpu.memref_slice %arg4[%arg1, %add3A_446, %dma_start3A_457] : memref<16x80x128xi32, #tpu.memory_space<hbm>> -> memref<1x1x128xi32, #tpu.memory_space<hbm>>
      %dma_start3A_459 = tpu.memref_squeeze %dma_start3A_458 : memref<1x1x128xi32, #tpu.memory_space<hbm>> -> memref<128xi32, #tpu.memory_space<hbm>>
      tpu.enqueue_dma source(%dma_start3A_459 : memref<128xi32, #tpu.memory_space<hbm>>) target(%dma_start3A_456 : memref<128xi32, #tpu.memory_space<vmem>>) target_semaphore(%arg20 : memref<!tpu.dma_semaphore, #tpu.memory_space<semaphore_mem>>)
      %scan3A_460 = arith.constant 0 : i32
      scf.yield %scan3A_460 : i32
    }
    %scan3A_120 = arith.constant 39 : i32
    %dma_wait3A_121 = arith.constant 0 : i32
    %dma_wait3A_122 = arith.constant 0 : i32
    %dma_wait3A_123 = arith.constant 0 : i32
    %dma_wait3A_124 = tpu.memref_slice %arg14[%dma_wait3A_121, %dma_wait3A_122, %dma_wait3A_123] : memref<2x128x128xf32, #tpu.memory_space<vmem>> -> memref<1x128x128xf32, #tpu.memory_space<vmem>>
    %dma_wait3A_125 = tpu.memref_squeeze %dma_wait3A_124 : memref<1x128x128xf32, #tpu.memory_space<vmem>> -> memref<128x128xf32, #tpu.memory_space<vmem>>
    %dma_wait3A_126 = arith.constant 9984 : i32
    %dma_wait3A_127 = tpu.memref_slice %arg12[%dma_wait3A_126] : memref<10240xi32, #tpu.memory_space<vmem>> -> memref<128xi32, #tpu.memory_space<vmem>>
    %dma_wait3A_128 = arith.constant 0 : i32
    %dma_wait3A_129 = arith.constant 0 : i32
    %dma_wait3A_130 = tpu.memref_slice %arg2[%dma_wait3A_128, %dma_wait3A_129] : memref<20000x128xf32, #tpu.memory_space<hbm>> -> memref<20000x128xf32, #tpu.memory_space<hbm>>
    tpu.wait_indirect_dma semaphore(%arg17 : memref<!tpu.dma_semaphore, #tpu.memory_space<semaphore_mem>>) src(%dma_wait3A_130 : memref<20000x128xf32, #tpu.memory_space<hbm>>) dst(%dma_wait3A_125 : memref<128x128xf32, #tpu.memory_space<vmem>>)
    %dma_wait3A_131 = arith.constant 78 : i32
    %dma_wait3A_132 = arith.constant 0 : i32
    %dma_wait3A_133 = arith.constant 0 : i32
    %dma_wait3A_134 = tpu.memref_slice %arg13[%dma_wait3A_132, %dma_wait3A_133] : memref<2x128xi32, #tpu.memory_space<vmem>> -> memref<1x128xi32, #tpu.memory_space<vmem>>
    %dma_wait3A_135 = tpu.memref_squeeze %dma_wait3A_134 : memref<1x128xi32, #tpu.memory_space<vmem>> -> memref<128xi32, #tpu.memory_space<vmem>>
    %dma_wait3A_136 = arith.constant 0 : i32
    %dma_wait3A_137 = tpu.memref_slice %arg4[%arg1, %dma_wait3A_131, %dma_wait3A_136] : memref<16x80x128xi32, #tpu.memory_space<hbm>> -> memref<1x1x128xi32, #tpu.memory_space<hbm>>
    %dma_wait3A_138 = tpu.memref_squeeze %dma_wait3A_137 : memref<1x1x128xi32, #tpu.memory_space<hbm>> -> memref<128xi32, #tpu.memory_space<hbm>>
    %dma_wait3A_139 = arith.constant 0 : i32
    %dma_wait3A_140 = tpu.memref_slice %arg13[%dma_wait3A_132, %dma_wait3A_139] : memref<2x128xi32, #tpu.memory_space<vmem>> -> memref<1x128xi32, #tpu.memory_space<vmem>>
    %dma_wait3A_141 = tpu.memref_squeeze %dma_wait3A_140 : memref<1x128xi32, #tpu.memory_space<vmem>> -> memref<128xi32, #tpu.memory_space<vmem>>
    %dma_wait3A_142 = arith.constant 0 : i32
    %dma_wait3A_143 = tpu.memref_slice %arg4[%arg1, %dma_wait3A_131, %dma_wait3A_142] : memref<16x80x128xi32, #tpu.memory_space<hbm>> -> memref<1x1x128xi32, #tpu.memory_space<hbm>>
    %dma_wait3A_144 = tpu.memref_squeeze %dma_wait3A_143 : memref<1x1x128xi32, #tpu.memory_space<hbm>> -> memref<128xi32, #tpu.memory_space<hbm>>
    tpu.wait_dma2 semaphore(%arg19 : memref<!tpu.dma_semaphore, #tpu.memory_space<semaphore_mem>>) src(%dma_wait3A_144 : memref<128xi32, #tpu.memory_space<hbm>>) dst(%dma_wait3A_141 : memref<128xi32, #tpu.memory_space<vmem>>)
    %run_scoped3A = arith.constant 0 : i32
    %run_scoped3A_145 = arith.constant 0 : i32
    "tpu.region"() ({
      %run_scoped3A_288 = tpu.sem_alloc : memref<!tpu.dma_semaphore, #tpu.memory_space<semaphore_mem>>
      %dma_start3A_289 = arith.constant 0 : i32
      %dma_start3A_290 = arith.constant 0 : i32
      %dma_start3A_291 = tpu.memref_slice %arg14[%run_scoped3A, %dma_start3A_289, %dma_start3A_290] : memref<2x128x128xf32, #tpu.memory_space<vmem>> -> memref<1x128x128xf32, #tpu.memory_space<vmem>>
      %dma_start3A_292 = tpu.memref_squeeze %dma_start3A_291 : memref<1x128x128xf32, #tpu.memory_space<vmem>> -> memref<128x128xf32, #tpu.memory_space<vmem>>
      %dma_start3A_293 = arith.constant 0 : i32
      %dma_start3A_294 = tpu.memref_slice %arg13[%run_scoped3A_145, %dma_start3A_293] : memref<2x128xi32, #tpu.memory_space<vmem>> -> memref<1x128xi32, #tpu.memory_space<vmem>>
      %dma_start3A_295 = tpu.memref_squeeze %dma_start3A_294 : memref<1x128xi32, #tpu.memory_space<vmem>> -> memref<128xi32, #tpu.memory_space<vmem>>
      %dma_start3A_296 = arith.constant 0 : i32
      %dma_start3A_297 = arith.constant 0 : i32
      %dma_start3A_298 = tpu.memref_slice %arg10[%dma_start3A_296, %dma_start3A_297] : memref<10240x128xf32, #tpu.memory_space<vmem_shared>> -> memref<10240x128xf32, #tpu.memory_space<vmem_shared>>
      tpu.enqueue_indirect_dma source(%dma_start3A_292 : memref<128x128xf32, #tpu.memory_space<vmem>>) target(%dma_start3A_298 : memref<10240x128xf32, #tpu.memory_space<vmem_shared>>) offsets(%dma_start3A_295 : memref<128xi32, #tpu.memory_space<vmem>>) semaphore(%run_scoped3A_288 : memref<!tpu.dma_semaphore, #tpu.memory_space<semaphore_mem>>) {add = true}
      %dma_wait3A_299 = arith.constant 0 : i32
      %dma_wait3A_300 = arith.constant 0 : i32
      %dma_wait3A_301 = tpu.memref_slice %arg14[%run_scoped3A, %dma_wait3A_299, %dma_wait3A_300] : memref<2x128x128xf32, #tpu.memory_space<vmem>> -> memref<1x128x128xf32, #tpu.memory_space<vmem>>
      %dma_wait3A_302 = tpu.memref_squeeze %dma_wait3A_301 : memref<1x128x128xf32, #tpu.memory_space<vmem>> -> memref<128x128xf32, #tpu.memory_space<vmem>>
      %dma_wait3A_303 = arith.constant 0 : i32
      %dma_wait3A_304 = tpu.memref_slice %arg13[%run_scoped3A_145, %dma_wait3A_303] : memref<2x128xi32, #tpu.memory_space<vmem>> -> memref<1x128xi32, #tpu.memory_space<vmem>>
      %dma_wait3A_305 = tpu.memref_squeeze %dma_wait3A_304 : memref<1x128xi32, #tpu.memory_space<vmem>> -> memref<128xi32, #tpu.memory_space<vmem>>
      %dma_wait3A_306 = arith.constant 0 : i32
      %dma_wait3A_307 = arith.constant 0 : i32
      %dma_wait3A_308 = tpu.memref_slice %arg10[%dma_wait3A_306, %dma_wait3A_307] : memref<10240x128xf32, #tpu.memory_space<vmem_shared>> -> memref<10240x128xf32, #tpu.memory_space<vmem_shared>>
      tpu.wait_indirect_dma semaphore(%run_scoped3A_288 : memref<!tpu.dma_semaphore, #tpu.memory_space<semaphore_mem>>) src(%dma_wait3A_302 : memref<128x128xf32, #tpu.memory_space<vmem>>) dst(%dma_wait3A_308 : memref<10240x128xf32, #tpu.memory_space<vmem_shared>>)
      tpu.yield
    }) : () -> ()
    %eq3A = arith.constant 1 : i32
    %eq3A_146 = arith.cmpi eq, %arg0, %eq3A : i32
    %convert_element_type3A = arith.extui %eq3A_146 : i1 to i32
    %cond3A = arith.constant 0 : i32
    %cond3A_147 = arith.cmpi ne, %convert_element_type3A, %cond3A : i32
    scf.if %cond3A_147 {
      %run_scoped3A_288 = arith.constant 0 : i32
      "tpu.region"() ({
        %run_scoped3A_289 = tpu.sem_alloc : memref<!tpu.dma_semaphore, #tpu.memory_space<semaphore_mem>>
        %dma_start3A_290 = arith.constant 0 : i32
        %dma_start3A_291 = tpu.memref_slice %arg13[%run_scoped3A_288, %dma_start3A_290] : memref<2x128xi32, #tpu.memory_space<vmem>> -> memref<1x128xi32, #tpu.memory_space<vmem>>
        %dma_start3A_292 = tpu.memref_squeeze %dma_start3A_291 : memref<1x128xi32, #tpu.memory_space<vmem>> -> memref<128xi32, #tpu.memory_space<vmem>>
        %dma_start3A_293 = arith.constant 0 : i32
        %dma_start3A_294 = tpu.memref_slice %arg11[%dma_start3A_293] : memref<10240xf32, #tpu.memory_space<vmem_shared>> -> memref<10240xf32, #tpu.memory_space<vmem_shared>>
        tpu.enqueue_indirect_dma source(%arg16 : memref<128xf32, #tpu.memory_space<vmem>>) target(%dma_start3A_294 : memref<10240xf32, #tpu.memory_space<vmem_shared>>) offsets(%dma_start3A_292 : memref<128xi32, #tpu.memory_space<vmem>>) semaphore(%run_scoped3A_289 : memref<!tpu.dma_semaphore, #tpu.memory_space<semaphore_mem>>) {add = true}
        %dma_wait3A_295 = arith.constant 0 : i32
        %dma_wait3A_296 = tpu.memref_slice %arg13[%run_scoped3A_288, %dma_wait3A_295] : memref<2x128xi32, #tpu.memory_space<vmem>> -> memref<1x128xi32, #tpu.memory_space<vmem>>
        %dma_wait3A_297 = tpu.memref_squeeze %dma_wait3A_296 : memref<1x128xi32, #tpu.memory_space<vmem>> -> memref<128xi32, #tpu.memory_space<vmem>>
        %dma_wait3A_298 = arith.constant 0 : i32
        %dma_wait3A_299 = tpu.memref_slice %arg11[%dma_wait3A_298] : memref<10240xf32, #tpu.memory_space<vmem_shared>> -> memref<10240xf32, #tpu.memory_space<vmem_shared>>
        tpu.wait_indirect_dma semaphore(%run_scoped3A_289 : memref<!tpu.dma_semaphore, #tpu.memory_space<semaphore_mem>>) src(%arg16 : memref<128xf32, #tpu.memory_space<vmem>>) dst(%dma_wait3A_299 : memref<10240xf32, #tpu.memory_space<vmem_shared>>)
        tpu.yield
      }) : () -> ()
    } else {
    }
    %dma_wait3A_148 = arith.constant 1 : i32
    %dma_wait3A_149 = arith.constant 0 : i32
    %dma_wait3A_150 = arith.constant 0 : i32
    %dma_wait3A_151 = tpu.memref_slice %arg14[%dma_wait3A_148, %dma_wait3A_149, %dma_wait3A_150] : memref<2x128x128xf32, #tpu.memory_space<vmem>> -> memref<1x128x128xf32, #tpu.memory_space<vmem>>
    %dma_wait3A_152 = tpu.memref_squeeze %dma_wait3A_151 : memref<1x128x128xf32, #tpu.memory_space<vmem>> -> memref<128x128xf32, #tpu.memory_space<vmem>>
    %dma_wait3A_153 = arith.constant 10112 : i32
    %dma_wait3A_154 = tpu.memref_slice %arg12[%dma_wait3A_153] : memref<10240xi32, #tpu.memory_space<vmem>> -> memref<128xi32, #tpu.memory_space<vmem>>
    %dma_wait3A_155 = arith.constant 0 : i32
    %dma_wait3A_156 = arith.constant 0 : i32
    %dma_wait3A_157 = tpu.memref_slice %arg2[%dma_wait3A_155, %dma_wait3A_156] : memref<20000x128xf32, #tpu.memory_space<hbm>> -> memref<20000x128xf32, #tpu.memory_space<hbm>>
    tpu.wait_indirect_dma semaphore(%arg18 : memref<!tpu.dma_semaphore, #tpu.memory_space<semaphore_mem>>) src(%dma_wait3A_157 : memref<20000x128xf32, #tpu.memory_space<hbm>>) dst(%dma_wait3A_152 : memref<128x128xf32, #tpu.memory_space<vmem>>)
    %dma_wait3A_158 = arith.constant 79 : i32
    %dma_wait3A_159 = arith.constant 1 : i32
    %dma_wait3A_160 = arith.constant 0 : i32
    %dma_wait3A_161 = tpu.memref_slice %arg13[%dma_wait3A_159, %dma_wait3A_160] : memref<2x128xi32, #tpu.memory_space<vmem>> -> memref<1x128xi32, #tpu.memory_space<vmem>>
    %dma_wait3A_162 = tpu.memref_squeeze %dma_wait3A_161 : memref<1x128xi32, #tpu.memory_space<vmem>> -> memref<128xi32, #tpu.memory_space<vmem>>
    %dma_wait3A_163 = arith.constant 0 : i32
    %dma_wait3A_164 = tpu.memref_slice %arg4[%arg1, %dma_wait3A_158, %dma_wait3A_163] : memref<16x80x128xi32, #tpu.memory_space<hbm>> -> memref<1x1x128xi32, #tpu.memory_space<hbm>>
    %dma_wait3A_165 = tpu.memref_squeeze %dma_wait3A_164 : memref<1x1x128xi32, #tpu.memory_space<hbm>> -> memref<128xi32, #tpu.memory_space<hbm>>
    %dma_wait3A_166 = arith.constant 0 : i32
    %dma_wait3A_167 = tpu.memref_slice %arg13[%dma_wait3A_159, %dma_wait3A_166] : memref<2x128xi32, #tpu.memory_space<vmem>> -> memref<1x128xi32, #tpu.memory_space<vmem>>
    %dma_wait3A_168 = tpu.memref_squeeze %dma_wait3A_167 : memref<1x128xi32, #tpu.memory_space<vmem>> -> memref<128xi32, #tpu.memory_space<vmem>>
    %dma_wait3A_169 = arith.constant 0 : i32
    %dma_wait3A_170 = tpu.memref_slice %arg4[%arg1, %dma_wait3A_158, %dma_wait3A_169] : memref<16x80x128xi32, #tpu.memory_space<hbm>> -> memref<1x1x128xi32, #tpu.memory_space<hbm>>
    %dma_wait3A_171 = tpu.memref_squeeze %dma_wait3A_170 : memref<1x1x128xi32, #tpu.memory_space<hbm>> -> memref<128xi32, #tpu.memory_space<hbm>>
    tpu.wait_dma2 semaphore(%arg20 : memref<!tpu.dma_semaphore, #tpu.memory_space<semaphore_mem>>) src(%dma_wait3A_171 : memref<128xi32, #tpu.memory_space<hbm>>) dst(%dma_wait3A_168 : memref<128xi32, #tpu.memory_space<vmem>>)
    %run_scoped3A_172 = arith.constant 1 : i32
    %run_scoped3A_173 = arith.constant 1 : i32
    "tpu.region"() ({
      %run_scoped3A_288 = tpu.sem_alloc : memref<!tpu.dma_semaphore, #tpu.memory_space<semaphore_mem>>
      %dma_start3A_289 = arith.constant 0 : i32
      %dma_start3A_290 = arith.constant 0 : i32
      %dma_start3A_291 = tpu.memref_slice %arg14[%run_scoped3A_172, %dma_start3A_289, %dma_start3A_290] : memref<2x128x128xf32, #tpu.memory_space<vmem>> -> memref<1x128x128xf32, #tpu.memory_space<vmem>>
      %dma_start3A_292 = tpu.memref_squeeze %dma_start3A_291 : memref<1x128x128xf32, #tpu.memory_space<vmem>> -> memref<128x128xf32, #tpu.memory_space<vmem>>
      %dma_start3A_293 = arith.constant 0 : i32
      %dma_start3A_294 = tpu.memref_slice %arg13[%run_scoped3A_173, %dma_start3A_293] : memref<2x128xi32, #tpu.memory_space<vmem>> -> memref<1x128xi32, #tpu.memory_space<vmem>>
      %dma_start3A_295 = tpu.memref_squeeze %dma_start3A_294 : memref<1x128xi32, #tpu.memory_space<vmem>> -> memref<128xi32, #tpu.memory_space<vmem>>
      %dma_start3A_296 = arith.constant 0 : i32
      %dma_start3A_297 = arith.constant 0 : i32
      %dma_start3A_298 = tpu.memref_slice %arg10[%dma_start3A_296, %dma_start3A_297] : memref<10240x128xf32, #tpu.memory_space<vmem_shared>> -> memref<10240x128xf32, #tpu.memory_space<vmem_shared>>
      tpu.enqueue_indirect_dma source(%dma_start3A_292 : memref<128x128xf32, #tpu.memory_space<vmem>>) target(%dma_start3A_298 : memref<10240x128xf32, #tpu.memory_space<vmem_shared>>) offsets(%dma_start3A_295 : memref<128xi32, #tpu.memory_space<vmem>>) semaphore(%run_scoped3A_288 : memref<!tpu.dma_semaphore, #tpu.memory_space<semaphore_mem>>) {add = true}
      %dma_wait3A_299 = arith.constant 0 : i32
      %dma_wait3A_300 = arith.constant 0 : i32
      %dma_wait3A_301 = tpu.memref_slice %arg14[%run_scoped3A_172, %dma_wait3A_299, %dma_wait3A_300] : memref<2x128x128xf32, #tpu.memory_space<vmem>> -> memref<1x128x128xf32, #tpu.memory_space<vmem>>
      %dma_wait3A_302 = tpu.memref_squeeze %dma_wait3A_301 : memref<1x128x128xf32, #tpu.memory_space<vmem>> -> memref<128x128xf32, #tpu.memory_space<vmem>>
      %dma_wait3A_303 = arith.constant 0 : i32
      %dma_wait3A_304 = tpu.memref_slice %arg13[%run_scoped3A_173, %dma_wait3A_303] : memref<2x128xi32, #tpu.memory_space<vmem>> -> memref<1x128xi32, #tpu.memory_space<vmem>>
      %dma_wait3A_305 = tpu.memref_squeeze %dma_wait3A_304 : memref<1x128xi32, #tpu.memory_space<vmem>> -> memref<128xi32, #tpu.memory_space<vmem>>
      %dma_wait3A_306 = arith.constant 0 : i32
      %dma_wait3A_307 = arith.constant 0 : i32
      %dma_wait3A_308 = tpu.memref_slice %arg10[%dma_wait3A_306, %dma_wait3A_307] : memref<10240x128xf32, #tpu.memory_space<vmem_shared>> -> memref<10240x128xf32, #tpu.memory_space<vmem_shared>>
      tpu.wait_indirect_dma semaphore(%run_scoped3A_288 : memref<!tpu.dma_semaphore, #tpu.memory_space<semaphore_mem>>) src(%dma_wait3A_302 : memref<128x128xf32, #tpu.memory_space<vmem>>) dst(%dma_wait3A_308 : memref<10240x128xf32, #tpu.memory_space<vmem_shared>>)
      tpu.yield
    }) : () -> ()
    %eq3A_174 = arith.constant 1 : i32
    %eq3A_175 = arith.cmpi eq, %arg0, %eq3A_174 : i32
    %convert_element_type3A_176 = arith.extui %eq3A_175 : i1 to i32
    %cond3A_177 = arith.constant 0 : i32
    %cond3A_178 = arith.cmpi ne, %convert_element_type3A_176, %cond3A_177 : i32
    scf.if %cond3A_178 {
      %run_scoped3A_288 = arith.constant 1 : i32
      "tpu.region"() ({
        %run_scoped3A_289 = tpu.sem_alloc : memref<!tpu.dma_semaphore, #tpu.memory_space<semaphore_mem>>
        %dma_start3A_290 = arith.constant 0 : i32
        %dma_start3A_291 = tpu.memref_slice %arg13[%run_scoped3A_288, %dma_start3A_290] : memref<2x128xi32, #tpu.memory_space<vmem>> -> memref<1x128xi32, #tpu.memory_space<vmem>>
        %dma_start3A_292 = tpu.memref_squeeze %dma_start3A_291 : memref<1x128xi32, #tpu.memory_space<vmem>> -> memref<128xi32, #tpu.memory_space<vmem>>
        %dma_start3A_293 = arith.constant 0 : i32
        %dma_start3A_294 = tpu.memref_slice %arg11[%dma_start3A_293] : memref<10240xf32, #tpu.memory_space<vmem_shared>> -> memref<10240xf32, #tpu.memory_space<vmem_shared>>
        tpu.enqueue_indirect_dma source(%arg16 : memref<128xf32, #tpu.memory_space<vmem>>) target(%dma_start3A_294 : memref<10240xf32, #tpu.memory_space<vmem_shared>>) offsets(%dma_start3A_292 : memref<128xi32, #tpu.memory_space<vmem>>) semaphore(%run_scoped3A_289 : memref<!tpu.dma_semaphore, #tpu.memory_space<semaphore_mem>>) {add = true}
        %dma_wait3A_295 = arith.constant 0 : i32
        %dma_wait3A_296 = tpu.memref_slice %arg13[%run_scoped3A_288, %dma_wait3A_295] : memref<2x128xi32, #tpu.memory_space<vmem>> -> memref<1x128xi32, #tpu.memory_space<vmem>>
        %dma_wait3A_297 = tpu.memref_squeeze %dma_wait3A_296 : memref<1x128xi32, #tpu.memory_space<vmem>> -> memref<128xi32, #tpu.memory_space<vmem>>
        %dma_wait3A_298 = arith.constant 0 : i32
        %dma_wait3A_299 = tpu.memref_slice %arg11[%dma_wait3A_298] : memref<10240xf32, #tpu.memory_space<vmem_shared>> -> memref<10240xf32, #tpu.memory_space<vmem_shared>>
        tpu.wait_indirect_dma semaphore(%run_scoped3A_289 : memref<!tpu.dma_semaphore, #tpu.memory_space<semaphore_mem>>) src(%arg16 : memref<128xf32, #tpu.memory_space<vmem>>) dst(%dma_wait3A_299 : memref<10240xf32, #tpu.memory_space<vmem_shared>>)
        tpu.yield
      }) : () -> ()
    } else {
    }
    %barrier3A_179 = arith.constant 0 : index
    tpu.barrier barrier_id(%barrier3A_179)
    %mul3A_180 = arith.constant 640 : i32
    %mul3A_181 = arith.muli %arg1, %mul3A_180 : i32
    %add3A_182 = arith.constant 0 : i32
    %add3A_183 = arith.addi %mul3A_181, %add3A_182 : i32
    %dma_start3A_184 = arith.constant 0 : i32
    %dma_start3A_185 = tpu.memref_slice %arg8[%arg0, %add3A_183, %dma_start3A_184] : memref<2x10240x128xf32, #tpu.memory_space<hbm>> -> memref<1x128x128xf32, #tpu.memory_space<hbm>>
    %dma_start3A_186 = tpu.memref_squeeze %dma_start3A_185 : memref<1x128x128xf32, #tpu.memory_space<hbm>> -> memref<128x128xf32, #tpu.memory_space<hbm>>
    %dma_start3A_187 = arith.constant 0 : i32
    %dma_start3A_188 = tpu.memref_slice %arg10[%add3A_183, %dma_start3A_187] : memref<10240x128xf32, #tpu.memory_space<vmem_shared>> -> memref<128x128xf32, #tpu.memory_space<vmem_shared>>
    tpu.enqueue_dma source(%dma_start3A_188 : memref<128x128xf32, #tpu.memory_space<vmem_shared>>) target(%dma_start3A_186 : memref<128x128xf32, #tpu.memory_space<hbm>>) target_semaphore(%arg21 : memref<!tpu.dma_semaphore, #tpu.memory_space<semaphore_mem>>)
    %mul3A_189 = arith.constant 640 : i32
    %mul3A_190 = arith.muli %arg1, %mul3A_189 : i32
    %add3A_191 = arith.constant 128 : i32
    %add3A_192 = arith.addi %mul3A_190, %add3A_191 : i32
    %dma_start3A_193 = arith.constant 0 : i32
    %dma_start3A_194 = tpu.memref_slice %arg8[%arg0, %add3A_192, %dma_start3A_193] : memref<2x10240x128xf32, #tpu.memory_space<hbm>> -> memref<1x128x128xf32, #tpu.memory_space<hbm>>
    %dma_start3A_195 = tpu.memref_squeeze %dma_start3A_194 : memref<1x128x128xf32, #tpu.memory_space<hbm>> -> memref<128x128xf32, #tpu.memory_space<hbm>>
    %dma_start3A_196 = arith.constant 0 : i32
    %dma_start3A_197 = tpu.memref_slice %arg10[%add3A_192, %dma_start3A_196] : memref<10240x128xf32, #tpu.memory_space<vmem_shared>> -> memref<128x128xf32, #tpu.memory_space<vmem_shared>>
    tpu.enqueue_dma source(%dma_start3A_197 : memref<128x128xf32, #tpu.memory_space<vmem_shared>>) target(%dma_start3A_195 : memref<128x128xf32, #tpu.memory_space<hbm>>) target_semaphore(%arg21 : memref<!tpu.dma_semaphore, #tpu.memory_space<semaphore_mem>>)
    %mul3A_198 = arith.constant 640 : i32
    %mul3A_199 = arith.muli %arg1, %mul3A_198 : i32
    %add3A_200 = arith.constant 256 : i32
    %add3A_201 = arith.addi %mul3A_199, %add3A_200 : i32
    %dma_start3A_202 = arith.constant 0 : i32
    %dma_start3A_203 = tpu.memref_slice %arg8[%arg0, %add3A_201, %dma_start3A_202] : memref<2x10240x128xf32, #tpu.memory_space<hbm>> -> memref<1x128x128xf32, #tpu.memory_space<hbm>>
    %dma_start3A_204 = tpu.memref_squeeze %dma_start3A_203 : memref<1x128x128xf32, #tpu.memory_space<hbm>> -> memref<128x128xf32, #tpu.memory_space<hbm>>
    %dma_start3A_205 = arith.constant 0 : i32
    %dma_start3A_206 = tpu.memref_slice %arg10[%add3A_201, %dma_start3A_205] : memref<10240x128xf32, #tpu.memory_space<vmem_shared>> -> memref<128x128xf32, #tpu.memory_space<vmem_shared>>
    tpu.enqueue_dma source(%dma_start3A_206 : memref<128x128xf32, #tpu.memory_space<vmem_shared>>) target(%dma_start3A_204 : memref<128x128xf32, #tpu.memory_space<hbm>>) target_semaphore(%arg21 : memref<!tpu.dma_semaphore, #tpu.memory_space<semaphore_mem>>)
    %mul3A_207 = arith.constant 640 : i32
    %mul3A_208 = arith.muli %arg1, %mul3A_207 : i32
    %add3A_209 = arith.constant 384 : i32
    %add3A_210 = arith.addi %mul3A_208, %add3A_209 : i32
    %dma_start3A_211 = arith.constant 0 : i32
    %dma_start3A_212 = tpu.memref_slice %arg8[%arg0, %add3A_210, %dma_start3A_211] : memref<2x10240x128xf32, #tpu.memory_space<hbm>> -> memref<1x128x128xf32, #tpu.memory_space<hbm>>
    %dma_start3A_213 = tpu.memref_squeeze %dma_start3A_212 : memref<1x128x128xf32, #tpu.memory_space<hbm>> -> memref<128x128xf32, #tpu.memory_space<hbm>>
    %dma_start3A_214 = arith.constant 0 : i32
    %dma_start3A_215 = tpu.memref_slice %arg10[%add3A_210, %dma_start3A_214] : memref<10240x128xf32, #tpu.memory_space<vmem_shared>> -> memref<128x128xf32, #tpu.memory_space<vmem_shared>>
    tpu.enqueue_dma source(%dma_start3A_215 : memref<128x128xf32, #tpu.memory_space<vmem_shared>>) target(%dma_start3A_213 : memref<128x128xf32, #tpu.memory_space<hbm>>) target_semaphore(%arg21 : memref<!tpu.dma_semaphore, #tpu.memory_space<semaphore_mem>>)
    %mul3A_216 = arith.constant 640 : i32
    %mul3A_217 = arith.muli %arg1, %mul3A_216 : i32
    %add3A_218 = arith.constant 512 : i32
    %add3A_219 = arith.addi %mul3A_217, %add3A_218 : i32
    %dma_start3A_220 = arith.constant 0 : i32
    %dma_start3A_221 = tpu.memref_slice %arg8[%arg0, %add3A_219, %dma_start3A_220] : memref<2x10240x128xf32, #tpu.memory_space<hbm>> -> memref<1x128x128xf32, #tpu.memory_space<hbm>>
    %dma_start3A_222 = tpu.memref_squeeze %dma_start3A_221 : memref<1x128x128xf32, #tpu.memory_space<hbm>> -> memref<128x128xf32, #tpu.memory_space<hbm>>
    %dma_start3A_223 = arith.constant 0 : i32
    %dma_start3A_224 = tpu.memref_slice %arg10[%add3A_219, %dma_start3A_223] : memref<10240x128xf32, #tpu.memory_space<vmem_shared>> -> memref<128x128xf32, #tpu.memory_space<vmem_shared>>
    tpu.enqueue_dma source(%dma_start3A_224 : memref<128x128xf32, #tpu.memory_space<vmem_shared>>) target(%dma_start3A_222 : memref<128x128xf32, #tpu.memory_space<hbm>>) target_semaphore(%arg21 : memref<!tpu.dma_semaphore, #tpu.memory_space<semaphore_mem>>)
    %mul3A_225 = arith.constant 640 : i32
    %mul3A_226 = arith.muli %arg1, %mul3A_225 : i32
    %mul3A_227 = arith.constant 10240 : i32
    %mul3A_228 = arith.muli %arg0, %mul3A_227 : i32
    %mul3A_229 = arith.constant 640 : i32
    %mul3A_230 = arith.muli %arg1, %mul3A_229 : i32
    %add3A_231 = arith.addi %mul3A_228, %mul3A_230 : i32
    %dma_start3A_232 = tpu.memref_slice %arg9[%add3A_231] : memref<20480xf32, #tpu.memory_space<hbm>> -> memref<640xf32, #tpu.memory_space<hbm>>
    %dma_start3A_233 = tpu.memref_slice %arg11[%mul3A_226] : memref<10240xf32, #tpu.memory_space<vmem_shared>> -> memref<640xf32, #tpu.memory_space<vmem_shared>>
    tpu.enqueue_dma source(%dma_start3A_233 : memref<640xf32, #tpu.memory_space<vmem_shared>>) target(%dma_start3A_232 : memref<640xf32, #tpu.memory_space<hbm>>) target_semaphore(%arg21 : memref<!tpu.dma_semaphore, #tpu.memory_space<semaphore_mem>>)
    %mul3A_234 = arith.constant 640 : i32
    %mul3A_235 = arith.muli %arg1, %mul3A_234 : i32
    %add3A_236 = arith.constant 0 : i32
    %add3A_237 = arith.addi %mul3A_235, %add3A_236 : i32
    %dma_wait3A_238 = arith.constant 0 : i32
    %dma_wait3A_239 = tpu.memref_slice %arg8[%arg0, %add3A_237, %dma_wait3A_238] : memref<2x10240x128xf32, #tpu.memory_space<hbm>> -> memref<1x128x128xf32, #tpu.memory_space<hbm>>
    %dma_wait3A_240 = tpu.memref_squeeze %dma_wait3A_239 : memref<1x128x128xf32, #tpu.memory_space<hbm>> -> memref<128x128xf32, #tpu.memory_space<hbm>>
    %dma_wait3A_241 = arith.constant 0 : i32
    %dma_wait3A_242 = tpu.memref_slice %arg10[%add3A_237, %dma_wait3A_241] : memref<10240x128xf32, #tpu.memory_space<vmem_shared>> -> memref<128x128xf32, #tpu.memory_space<vmem_shared>>
    tpu.wait_dma2 semaphore(%arg21 : memref<!tpu.dma_semaphore, #tpu.memory_space<semaphore_mem>>) src(%dma_wait3A_242 : memref<128x128xf32, #tpu.memory_space<vmem_shared>>) dst(%dma_wait3A_240 : memref<128x128xf32, #tpu.memory_space<hbm>>)
    %mul3A_243 = arith.constant 640 : i32
    %mul3A_244 = arith.muli %arg1, %mul3A_243 : i32
    %add3A_245 = arith.constant 128 : i32
    %add3A_246 = arith.addi %mul3A_244, %add3A_245 : i32
    %dma_wait3A_247 = arith.constant 0 : i32
    %dma_wait3A_248 = tpu.memref_slice %arg8[%arg0, %add3A_246, %dma_wait3A_247] : memref<2x10240x128xf32, #tpu.memory_space<hbm>> -> memref<1x128x128xf32, #tpu.memory_space<hbm>>
    %dma_wait3A_249 = tpu.memref_squeeze %dma_wait3A_248 : memref<1x128x128xf32, #tpu.memory_space<hbm>> -> memref<128x128xf32, #tpu.memory_space<hbm>>
    %dma_wait3A_250 = arith.constant 0 : i32
    %dma_wait3A_251 = tpu.memref_slice %arg10[%add3A_246, %dma_wait3A_250] : memref<10240x128xf32, #tpu.memory_space<vmem_shared>> -> memref<128x128xf32, #tpu.memory_space<vmem_shared>>
    tpu.wait_dma2 semaphore(%arg21 : memref<!tpu.dma_semaphore, #tpu.memory_space<semaphore_mem>>) src(%dma_wait3A_251 : memref<128x128xf32, #tpu.memory_space<vmem_shared>>) dst(%dma_wait3A_249 : memref<128x128xf32, #tpu.memory_space<hbm>>)
    %mul3A_252 = arith.constant 640 : i32
    %mul3A_253 = arith.muli %arg1, %mul3A_252 : i32
    %add3A_254 = arith.constant 256 : i32
    %add3A_255 = arith.addi %mul3A_253, %add3A_254 : i32
    %dma_wait3A_256 = arith.constant 0 : i32
    %dma_wait3A_257 = tpu.memref_slice %arg8[%arg0, %add3A_255, %dma_wait3A_256] : memref<2x10240x128xf32, #tpu.memory_space<hbm>> -> memref<1x128x128xf32, #tpu.memory_space<hbm>>
    %dma_wait3A_258 = tpu.memref_squeeze %dma_wait3A_257 : memref<1x128x128xf32, #tpu.memory_space<hbm>> -> memref<128x128xf32, #tpu.memory_space<hbm>>
    %dma_wait3A_259 = arith.constant 0 : i32
    %dma_wait3A_260 = tpu.memref_slice %arg10[%add3A_255, %dma_wait3A_259] : memref<10240x128xf32, #tpu.memory_space<vmem_shared>> -> memref<128x128xf32, #tpu.memory_space<vmem_shared>>
    tpu.wait_dma2 semaphore(%arg21 : memref<!tpu.dma_semaphore, #tpu.memory_space<semaphore_mem>>) src(%dma_wait3A_260 : memref<128x128xf32, #tpu.memory_space<vmem_shared>>) dst(%dma_wait3A_258 : memref<128x128xf32, #tpu.memory_space<hbm>>)
    %mul3A_261 = arith.constant 640 : i32
    %mul3A_262 = arith.muli %arg1, %mul3A_261 : i32
    %add3A_263 = arith.constant 384 : i32
    %add3A_264 = arith.addi %mul3A_262, %add3A_263 : i32
    %dma_wait3A_265 = arith.constant 0 : i32
    %dma_wait3A_266 = tpu.memref_slice %arg8[%arg0, %add3A_264, %dma_wait3A_265] : memref<2x10240x128xf32, #tpu.memory_space<hbm>> -> memref<1x128x128xf32, #tpu.memory_space<hbm>>
    %dma_wait3A_267 = tpu.memref_squeeze %dma_wait3A_266 : memref<1x128x128xf32, #tpu.memory_space<hbm>> -> memref<128x128xf32, #tpu.memory_space<hbm>>
    %dma_wait3A_268 = arith.constant 0 : i32
    %dma_wait3A_269 = tpu.memref_slice %arg10[%add3A_264, %dma_wait3A_268] : memref<10240x128xf32, #tpu.memory_space<vmem_shared>> -> memref<128x128xf32, #tpu.memory_space<vmem_shared>>
    tpu.wait_dma2 semaphore(%arg21 : memref<!tpu.dma_semaphore, #tpu.memory_space<semaphore_mem>>) src(%dma_wait3A_269 : memref<128x128xf32, #tpu.memory_space<vmem_shared>>) dst(%dma_wait3A_267 : memref<128x128xf32, #tpu.memory_space<hbm>>)
    %mul3A_270 = arith.constant 640 : i32
    %mul3A_271 = arith.muli %arg1, %mul3A_270 : i32
    %add3A_272 = arith.constant 512 : i32
    %add3A_273 = arith.addi %mul3A_271, %add3A_272 : i32
    %dma_wait3A_274 = arith.constant 0 : i32
    %dma_wait3A_275 = tpu.memref_slice %arg8[%arg0, %add3A_273, %dma_wait3A_274] : memref<2x10240x128xf32, #tpu.memory_space<hbm>> -> memref<1x128x128xf32, #tpu.memory_space<hbm>>
    %dma_wait3A_276 = tpu.memref_squeeze %dma_wait3A_275 : memref<1x128x128xf32, #tpu.memory_space<hbm>> -> memref<128x128xf32, #tpu.memory_space<hbm>>
    %dma_wait3A_277 = arith.constant 0 : i32
    %dma_wait3A_278 = tpu.memref_slice %arg10[%add3A_273, %dma_wait3A_277] : memref<10240x128xf32, #tpu.memory_space<vmem_shared>> -> memref<128x128xf32, #tpu.memory_space<vmem_shared>>
    tpu.wait_dma2 semaphore(%arg21 : memref<!tpu.dma_semaphore, #tpu.memory_space<semaphore_mem>>) src(%dma_wait3A_278 : memref<128x128xf32, #tpu.memory_space<vmem_shared>>) dst(%dma_wait3A_276 : memref<128x128xf32, #tpu.memory_space<hbm>>)
    %mul3A_279 = arith.constant 640 : i32
    %mul3A_280 = arith.muli %arg1, %mul3A_279 : i32
    %mul3A_281 = arith.constant 10240 : i32
    %mul3A_282 = arith.muli %arg0, %mul3A_281 : i32
    %mul3A_283 = arith.constant 640 : i32
    %mul3A_284 = arith.muli %arg1, %mul3A_283 : i32
    %add3A_285 = arith.addi %mul3A_282, %mul3A_284 : i32
    %dma_wait3A_286 = tpu.memref_slice %arg9[%add3A_285] : memref<20480xf32, #tpu.memory_space<hbm>> -> memref<640xf32, #tpu.memory_space<hbm>>
    %dma_wait3A_287 = tpu.memref_slice %arg11[%mul3A_280] : memref<10240xf32, #tpu.memory_space<vmem_shared>> -> memref<640xf32, #tpu.memory_space<vmem_shared>>
    tpu.wait_dma2 semaphore(%arg21 : memref<!tpu.dma_semaphore, #tpu.memory_space<semaphore_mem>>) src(%dma_wait3A_287 : memref<640xf32, #tpu.memory_space<vmem_shared>>) dst(%dma_wait3A_286 : memref<640xf32, #tpu.memory_space<hbm>>)
    return
  }
}

module attributes {stable_mosaic.version = 14 : i64} {
  func.func @_tc_self_body(%arg0: i32, %arg1: memref<1000x256xf32, #tpu.memory_space<vmem>>, %arg2: memref<256x256xf32, #tpu.memory_space<vmem>>, %arg3: memref<1x256xf32, #tpu.memory_space<vmem>>, %arg4: memref<1000x256xf32, #tpu.memory_space<vmem>>) attributes {dimension_semantics = [#tpu.dimension_semantics<arbitrary>], iteration_bounds = array<i64: 10>, scalar_prefetch = 0 : i64, scratch_operands = 0 : i64, tpu.core_type = #tpu.core_type<tc>, window_params = [{transform_indices = @transform_0, window_bounds = array<i64: 1000, 256>}, {pipeline_mode = #tpu.pipeline_mode<synchronous>, transform_indices = @transform_1, window_bounds = array<i64: 256, 256>}, {pipeline_mode = #tpu.pipeline_mode<synchronous>, transform_indices = @transform_2, window_bounds = array<i64: 1, 256>}, {transform_indices = @transform_3, window_bounds = array<i64: 1000, 256>}]} {
    %get3A = arith.constant 0 : index
    %get3A_0 = arith.constant 0 : index
    %get3A_1 = vector.load %arg1[%get3A, %get3A_0] : memref<1000x256xf32, #tpu.memory_space<vmem>>, vector<1000x256xf32>
    %get3A_2 = arith.constant 0 : index
    %get3A_3 = arith.constant 0 : index
    %get3A_4 = vector.load %arg2[%get3A_2, %get3A_3] : memref<256x256xf32, #tpu.memory_space<vmem>>, vector<256x256xf32>
    %dot_general3A = arith.constant dense<0.000000e+00> : vector<1000x256xf32>
    %dot_general3A_5 = tpu.matmul %get3A_1, %get3A_4, %dot_general3A {dimension_numbers = #tpu.dot_dimension_numbers<[1], [0], [0], [1], [0, 0, 1, 1], [], []>, transpose_lhs_hint = false} : vector<1000x256xf32>, vector<256x256xf32>, vector<1000x256xf32> -> vector<1000x256xf32>
    %get3A_6 = arith.constant 0 : index
    %get3A_7 = arith.constant 0 : index
    %get3A_8 = vector.load %arg3[%get3A_6, %get3A_7] : memref<1x256xf32, #tpu.memory_space<vmem>>, vector<1x256xf32>
    %add3A = vector.broadcast %get3A_8 : vector<1x256xf32> to vector<1000x256xf32>
    %add3A_9 = arith.addf %dot_general3A_5, %add3A : vector<1000x256xf32>
    %swap3A = arith.constant 0 : index
    %swap3A_10 = arith.constant 0 : index
    %swap3A_11 = vector.load %arg4[%swap3A, %swap3A_10] : memref<1000x256xf32, #tpu.memory_space<vmem>>, vector<1000x256xf32>
    tpu.vector_store %arg4[%swap3A, %swap3A_10], %add3A_9 {strides = array<i32>} : memref<1000x256xf32, #tpu.memory_space<vmem>>, vector<1000x256xf32>,
    return
  }
  func.func @transform_0(%arg0: i32) -> (i32, i32) {
    %c0_i32 = arith.constant 0 : i32
    %c0_i32_0 = arith.constant 0 : i32
    return %arg0, %c0_i32 : i32, i32
  }
  func.func @transform_1(%arg0: i32) -> (i32, i32) {
    %c0_i32 = arith.constant 0 : i32
    %c0_i32_0 = arith.constant 0 : i32
    %c0_i32_1 = arith.constant 0 : i32
    return %c0_i32, %c0_i32_0 : i32, i32
  }
  func.func @transform_2(%arg0: i32) -> (i32, i32) {
    %c0_i32 = arith.constant 0 : i32
    %c0_i32_0 = arith.constant 0 : i32
    %c0_i32_1 = arith.constant 0 : i32
    return %c0_i32, %c0_i32_0 : i32, i32
  }
  func.func @transform_3(%arg0: i32) -> (i32, i32) {
    %c0_i32 = arith.constant 0 : i32
    %c0_i32_0 = arith.constant 0 : i32
    return %arg0, %c0_i32 : i32, i32
  }
}

module attributes {stable_mosaic.version = 14 : i64} {
  func.func @_tc_neigh_body(%arg0: i32, %arg1: memref<1000x256xf32, #tpu.memory_space<vmem>>, %arg2: memref<1x1000x128xf32, #tpu.memory_space<vmem>>, %arg3: memref<1x1000x128xf32, #tpu.memory_space<vmem>>, %arg4: memref<1x1000x1xf32, #tpu.memory_space<vmem>>, %arg5: memref<1x1000x1xf32, #tpu.memory_space<vmem>>, %arg6: memref<128x256xf32, #tpu.memory_space<vmem>>, %arg7: memref<128x256xf32, #tpu.memory_space<vmem>>, %arg8: memref<1000x256xf32, #tpu.memory_space<vmem>>) attributes {dimension_semantics = [#tpu.dimension_semantics<arbitrary>], iteration_bounds = array<i64: 10>, scalar_prefetch = 0 : i64, scratch_operands = 0 : i64, tpu.core_type = #tpu.core_type<tc>, window_params = [{transform_indices = @transform_0, window_bounds = array<i64: 1000, 256>}, {transform_indices = @transform_1, window_bounds = array<i64: 1, 1000, 128>}, {transform_indices = @transform_2, window_bounds = array<i64: 1, 1000, 128>}, {transform_indices = @transform_3, window_bounds = array<i64: 1, 1000, 1>}, {transform_indices = @transform_4, window_bounds = array<i64: 1, 1000, 1>}, {pipeline_mode = #tpu.pipeline_mode<synchronous>, transform_indices = @transform_5, window_bounds = array<i64: 128, 256>}, {pipeline_mode = #tpu.pipeline_mode<synchronous>, transform_indices = @transform_6, window_bounds = array<i64: 128, 256>}, {transform_indices = @transform_7, window_bounds = array<i64: 1000, 256>}]} {
    %get3A = arith.constant 0 : index
    %get3A_0 = arith.constant 0 : index
    %get3A_1 = arith.constant 0 : index
    %get3A_2 = vector.load %arg4[%get3A, %get3A_0, %get3A_1] : memref<1x1000x1xf32, #tpu.memory_space<vmem>>, vector<1x1000x1xf32>
    %get3A_3 = vector.shape_cast %get3A_2 : vector<1x1000x1xf32> to vector<1000x1xf32>
    %get3A_4 = arith.constant 0 : index
    %get3A_5 = arith.constant 0 : index
    %get3A_6 = arith.constant 0 : index
    %get3A_7 = vector.load %arg5[%get3A_4, %get3A_5, %get3A_6] : memref<1x1000x1xf32, #tpu.memory_space<vmem>>, vector<1x1000x1xf32>
    %get3A_8 = vector.shape_cast %get3A_7 : vector<1x1000x1xf32> to vector<1000x1xf32>
    %add3A = arith.addf %get3A_3, %get3A_8 : vector<1000x1xf32>
    %max3A = arith.constant 1.000000e+00 : f32
    %max3A_9 = vector.broadcast %max3A : f32 to vector<1000x1xf32>
    %max3A_10 = arith.maximumf %add3A, %max3A_9 : vector<1000x1xf32>
    %div3A = arith.constant 1.000000e+00 : f32
    %div3A_11 = vector.broadcast %div3A : f32 to vector<1000x1xf32>
    %div3A_12 = arith.divf %div3A_11, %max3A_10 : vector<1000x1xf32>
    %get3A_13 = arith.constant 0 : index
    %get3A_14 = arith.constant 0 : index
    %get3A_15 = arith.constant 0 : index
    %get3A_16 = vector.load %arg2[%get3A_13, %get3A_14, %get3A_15] : memref<1x1000x128xf32, #tpu.memory_space<vmem>>, vector<1x1000x128xf32>
    %get3A_17 = vector.shape_cast %get3A_16 : vector<1x1000x128xf32> to vector<1000x128xf32>
    %mul3A = vector.broadcast %div3A_12 : vector<1000x1xf32> to vector<1000x128xf32>
    %mul3A_18 = arith.mulf %get3A_17, %mul3A : vector<1000x128xf32>
    %get3A_19 = arith.constant 0 : index
    %get3A_20 = arith.constant 0 : index
    %get3A_21 = arith.constant 0 : index
    %get3A_22 = vector.load %arg3[%get3A_19, %get3A_20, %get3A_21] : memref<1x1000x128xf32, #tpu.memory_space<vmem>>, vector<1x1000x128xf32>
    %get3A_23 = vector.shape_cast %get3A_22 : vector<1x1000x128xf32> to vector<1000x128xf32>
    %mul3A_24 = vector.broadcast %div3A_12 : vector<1000x1xf32> to vector<1000x128xf32>
    %mul3A_25 = arith.mulf %get3A_23, %mul3A_24 : vector<1000x128xf32>
    %get3A_26 = arith.constant 0 : index
    %get3A_27 = arith.constant 0 : index
    %get3A_28 = vector.load %arg6[%get3A_26, %get3A_27] : memref<128x256xf32, #tpu.memory_space<vmem>>, vector<128x256xf32>
    %dot_general3A = arith.constant dense<0.000000e+00> : vector<1000x256xf32>
    %dot_general3A_29 = tpu.matmul %mul3A_18, %get3A_28, %dot_general3A {dimension_numbers = #tpu.dot_dimension_numbers<[1], [0], [0], [1], [0, 0, 1, 1], [], []>, transpose_lhs_hint = false} : vector<1000x128xf32>, vector<128x256xf32>, vector<1000x256xf32> -> vector<1000x256xf32>
    %get3A_30 = arith.constant 0 : index
    %get3A_31 = arith.constant 0 : index
    %get3A_32 = vector.load %arg7[%get3A_30, %get3A_31] : memref<128x256xf32, #tpu.memory_space<vmem>>, vector<128x256xf32>
    %dot_general3A_33 = arith.constant dense<0.000000e+00> : vector<1000x256xf32>
    %dot_general3A_34 = tpu.matmul %mul3A_25, %get3A_32, %dot_general3A_33 {dimension_numbers = #tpu.dot_dimension_numbers<[1], [0], [0], [1], [0, 0, 1, 1], [], []>, transpose_lhs_hint = false} : vector<1000x128xf32>, vector<128x256xf32>, vector<1000x256xf32> -> vector<1000x256xf32>
    %add3A_35 = arith.addf %dot_general3A_29, %dot_general3A_34 : vector<1000x256xf32>
    %get3A_36 = arith.constant 0 : index
    %get3A_37 = arith.constant 0 : index
    %get3A_38 = vector.load %arg1[%get3A_36, %get3A_37] : memref<1000x256xf32, #tpu.memory_space<vmem>>, vector<1000x256xf32>
    %add3A_39 = arith.addf %get3A_38, %add3A_35 : vector<1000x256xf32>
    %swap3A = arith.constant 0 : index
    %swap3A_40 = arith.constant 0 : index
    %swap3A_41 = vector.load %arg8[%swap3A, %swap3A_40] : memref<1000x256xf32, #tpu.memory_space<vmem>>, vector<1000x256xf32>
    tpu.vector_store %arg8[%swap3A, %swap3A_40], %add3A_39 {strides = array<i32>} : memref<1000x256xf32, #tpu.memory_space<vmem>>, vector<1000x256xf32>,
    return
  }
  func.func @transform_0(%arg0: i32) -> (i32, i32) {
    %c0_i32 = arith.constant 0 : i32
    %c0_i32_0 = arith.constant 0 : i32
    return %arg0, %c0_i32 : i32, i32
  }
  func.func @transform_1(%arg0: i32) -> (i32, i32, i32) {
    %c0_i32 = arith.constant 0 : i32
    %c0_i32_0 = arith.constant 0 : i32
    %c0_i32_1 = arith.constant 0 : i32
    return %c0_i32, %arg0, %c0_i32_0 : i32, i32, i32
  }
  func.func @transform_2(%arg0: i32) -> (i32, i32, i32) {
    %c1_i32 = arith.constant 1 : i32
    %c0_i32 = arith.constant 0 : i32
    %c0_i32_0 = arith.constant 0 : i32
    return %c1_i32, %arg0, %c0_i32 : i32, i32, i32
  }
  func.func @transform_3(%arg0: i32) -> (i32, i32, i32) {
    %c0_i32 = arith.constant 0 : i32
    %c0_i32_0 = arith.constant 0 : i32
    %c0_i32_1 = arith.constant 0 : i32
    return %c0_i32, %arg0, %c0_i32_0 : i32, i32, i32
  }
  func.func @transform_4(%arg0: i32) -> (i32, i32, i32) {
    %c1_i32 = arith.constant 1 : i32
    %c0_i32 = arith.constant 0 : i32
    %c0_i32_0 = arith.constant 0 : i32
    return %c1_i32, %arg0, %c0_i32 : i32, i32, i32
  }
  func.func @transform_5(%arg0: i32) -> (i32, i32) {
    %c0_i32 = arith.constant 0 : i32
    %c0_i32_0 = arith.constant 0 : i32
    %c0_i32_1 = arith.constant 0 : i32
    return %c0_i32, %c0_i32_0 : i32, i32
  }
  func.func @transform_6(%arg0: i32) -> (i32, i32) {
    %c0_i32 = arith.constant 0 : i32
    %c0_i32_0 = arith.constant 0 : i32
    %c0_i32_1 = arith.constant 0 : i32
    return %c0_i32, %c0_i32_0 : i32, i32
  }
  func.func @transform_7(%arg0: i32) -> (i32, i32) {
    %c0_i32 = arith.constant 0 : i32
    %c0_i32_0 = arith.constant 0 : i32
    return %arg0, %c0_i32 : i32, i32
  }
}

</mosaic_0001>

<sc_bundles>
// kernel: kernel.5.cloned.1.call-start
scs
__scs_entry_jumppad:
0x0: {  	(pc) =	sbr.rel $0x88, $3  }
0x1: {  	(tag) =	ssettag $0x0;
	lr =	simm.s32 $0x1  }
0x2: {  	[smem:$0x3F9B] =	sst lr;
	_ =	strace $0xD0000000  }
0x3: {  	_ = 	snop  }
0x4: {  	_ = 	snop  }
0x5: {  	_ = 	snop  }
0x6: {  	_ = 	snop  }
0x7: {  	_ = 	snop  }
__scs_overlays_trampoline_lowered:
0x8: {  	[smem:$0x3FAA] =	sst s0  }
0x9: {  	[smem:$0x3FAB] =	sst s1  }
0xa: {  	[smem:$0x3FAC] =	sst s2  }
0xb: {  	[smem:$0x3FAD] =	sst s3  }
0xc: {  	[smem:$0x3FAE] =	sst s4  }
0xd: {  	[smem:$0x3FAF] =	sst s5  }
0xe: {  	[smem:$0x3FB0] =	sst s6  }
0xf: {  	[smem:$0x3FB1] =	sst s7  }
0x10: {  	[smem:$0x3FB2] =	sst s8  }
0x11: {  	[smem:$0x3FB3] =	sst s9;
	s0 =	simm.s32 @!p0 $0x0  }
0x12: {  	s1 =	sld [smem:$0x3F99];
	s0 =	simm.s32 @p0 $0x1  }
0x13: {  	[smem:$0x3FB4] =	sst s0;
	s0 =	simm.s32 @!p1 $0x0  }
0x14: {  	s2 =	sld [smem:$0x3F98];
	s0 =	simm.s32 @p1 $0x1  }
0x15: {  	[smem:$0x3FB5] =	sst s0;
	s0 =	simm.s32 @!p2 $0x0  }
0x16: {  	s3 =	sld [smem:$0x3FDB];
	s0 =	simm.s32 @p2 $0x1  }
0x17: {  	s4 =	simm.s32 $0x1BF5;
	[smem:$0x3FB7] =	sst s0  }
0x18: {  	s0 =	sld [smem:$0x3F9A];
	_ =	swait.ge [sflag:s4], $0x0  }
0x19: {  	s7 =	sld [smem:$0x3F9B]  }
0x1a: {  	s8 =	sadd.s32 $0xFFFFE003, lr  }
0x1b: {  	s9 =	sadd.s32 $0xFFFFFEF7, lr;
	s5 =	simm.s32 $0xFFFFFFFF;
	p2 =	slt.u32 s8, $0xFFFFF086  }
0x1c: {  	p1 =	slt.u32 s9, $0xF7A;
	s5 =	simm.s32 @!p2 $0x0  }
0x1d: {  	s5 =	simm.s32 @p1 $0x1;
	p0 =	seq.s32 s7, s2  }
0x1e: {  	s7 =	smul.u32 @!p0 $0xF7A, s2;
	p2 =	seq.s32 @!p0 s5, $0x0  }
0x1f: {  	s9 =	smul.u32 $0xF7A, s1;
	s8 =	simm.s32 @!p0 $0x1BF5;
	p2 =	por !p2, p0  }
0x20: {  	[sflag:s8] =	ssyncset.s32 @!p0 $0xFFFFF086;
	s6 =	sadd.s32 @!p0 s3, s7;
	s7 =	simm.s32 @!p0 $0x108  }
0x21: {  	s3 =	sadd.s32 s3, s9;
	s6 =	sadd.s32 @!p0 $0x88, s6;
	s7 =	simm.s32 @p2 $0x1082  }
0x22: {  	[simem:s7], [sflag:s8] =	dma.local @!p0 [hbm:s6], $0xF7A  }
0x23: {  	s9 =	sor.u32 $0xD0000000, s2;
	s6 =	simm.s32 $0x108;
	_ =	swait.ge @!p0 [sflag:s8], $0x0  }
0x24: {  	s3 =	sadd.s32 $0x88, s3;
	s6 =	simm.s32 @!p1 $0x1082;
	[sflag:s4] =	ssyncset.s32 $0xFFFFF086  }
0x25: {  	[simem:s6], [sflag:s4] =	dma.local [hbm:s3], $0xF7A  }
0x26: {  	[smem:$0x3F9B] =	sst s1;
	(tag) =	ssettag s2;
	_ =	strace s9  }
0x27: {  	s1 =	sld [smem:$0x3FAB]  }
0x28: {  	s2 =	sld [smem:$0x3FAC]  }
0x29: {  	s4 =	sld [smem:$0x3FAE]  }
0x2a: {  	p0 =	seq.s32 s5, $0x0;
	s5 =	sld [smem:$0x3FAF]  }
0x2b: {  	s6 =	sld [smem:$0x3FB0]  }
0x2c: {  	s7 =	sld [smem:$0x3FB1]  }
0x2d: {  	s3 =	simm.s32 $0x108;
	s8 =	sld [smem:$0x3FB2]  }
0x2e: {  	s3 =	simm.s32 @!p0 $0x1082;
	s9 =	sld [smem:$0x3FB3]  }
0x2f: {  	lr =	sadd.s32 s0, s3;
	s0 =	sld [smem:$0x3FAA]  }
0x30: {  	s3 =	sld [smem:$0x3FAD]  }
0x31: {  	[smem:$0x3FB6] =	sst s10  }
0x32: {  	s10 =	sld [smem:$0x3FB4];
	_ =	sdelay $0x3  }
0x33: {  	p0 =	seq.s32 s10, $0x1;
	s10 =	sld [smem:$0x3FB6];
	_ =	sdelay $0x3  }
0x34: {  	[smem:$0x3FB6] =	sst s10  }
0x35: {  	s10 =	sld [smem:$0x3FB5];
	_ =	sdelay $0x3  }
0x36: {  	p1 =	seq.s32 s10, $0x1;
	s10 =	sld [smem:$0x3FB6];
	_ =	sdelay $0x3  }
0x37: {  	[smem:$0x3FB6] =	sst s10  }
0x38: {  	s10 =	sld [smem:$0x3FB7]  }
0x39: {  	_ = 	snop;
	(pc) =	sbr.ind lr, $3  }
0x3a: {  	_ = 	snop  }
0x3b: {  	_ = 	snop  }
0x3c: {  	p2 =	seq.s32 s10, $0x1;
	s10 =	sld [smem:$0x3FB6]  }
0x3d: {  	_ =	shalt  }
0x3e: {  	_ =	shalt  }
0x3f: {  	_ =	shalt  }
0x40: {  	_ =	shalt  }
0x41: {  	_ =	shalt  }
0x42: {  	_ =	shalt  }
0x43: {  	_ =	shalt  }
0x44: {  	_ =	shalt  }
0x45: {  	_ =	shalt  }
0x46: {  	_ =	shalt  }
0x47: {  	_ =	shalt  }
0x48: {  	_ =	shalt  }
0x49: {  	_ =	shalt  }
0x4a: {  	_ =	shalt  }
0x4b: {  	_ =	shalt  }
0x4c: {  	_ =	shalt  }
0x4d: {  	_ =	shalt  }
0x4e: {  	_ =	shalt  }
0x4f: {  	_ =	shalt  }
0x50: {  	_ =	shalt  }
0x51: {  	_ =	shalt  }
0x52: {  	_ =	shalt  }
0x53: {  	_ =	shalt  }
0x54: {  	_ =	shalt  }
0x55: {  	_ =	shalt  }
0x56: {  	_ =	shalt  }
0x57: {  	_ =	shalt  }
0x58: {  	_ =	shalt  }
0x59: {  	_ =	shalt  }
0x5a: {  	_ =	shalt  }
0x5b: {  	_ =	shalt  }
0x5c: {  	_ =	shalt  }
0x5d: {  	_ =	shalt  }
0x5e: {  	_ =	shalt  }
0x5f: {  	_ =	shalt  }
0x60: {  	_ =	shalt  }
0x61: {  	_ =	shalt  }
0x62: {  	_ =	shalt  }
0x63: {  	_ =	shalt  }
0x64: {  	_ =	shalt  }
0x65: {  	_ =	shalt  }
0x66: {  	_ =	shalt  }
0x67: {  	_ =	shalt  }
0x68: {  	_ =	shalt  }
0x69: {  	_ =	shalt  }
0x6a: {  	_ =	shalt  }
0x6b: {  	_ =	shalt  }
0x6c: {  	_ =	shalt  }
0x6d: {  	_ =	shalt  }
0x6e: {  	_ =	shalt  }
0x6f: {  	_ =	shalt  }
0x70: {  	_ =	shalt  }
0x71: {  	_ =	shalt  }
0x72: {  	_ =	shalt  }
0x73: {  	_ =	shalt  }
0x74: {  	_ =	shalt  }
0x75: {  	_ =	shalt  }
0x76: {  	_ =	shalt  }
0x77: {  	_ =	shalt  }
0x78: {  	_ =	shalt  }
0x79: {  	_ =	shalt  }
0x7a: {  	_ =	shalt  }
0x7b: {  	_ =	shalt  }
0x7c: {  	_ =	shalt  }
0x7d: {  	_ =	shalt  }
0x7e: {  	_ =	shalt  }
0x7f: {  	_ =	shalt  }
0x80: {  	_ =	shalt  }
0x81: {  	_ =	shalt  }
0x82: {  	_ =	shalt  }
0x83: {  	_ =	shalt  }
0x84: {  	_ =	shalt  }
0x85: {  	_ =	shalt  }
0x86: {  	_ =	shalt  }
0x87: {  	_ =	shalt  }
.Lfunc_end0:
.L_simem_size_0:
called_computation_lowered:
.L_overlay_start_0:
0x88: {  	s2 =	sld [smem:$0x3FD9]  }
0x89: {  	s3 =	sld [smem:$0x3FFE];
	_ =	sdelay $0x1  }
0x8a: {  	s1 =	srdreg.scid  }
0x8b: {  	s0 =	sand.u32 $0x1, s1  }
0x8c: {  	s17 =	sshll.u32 s0, $0xA;
	s2 =	sadd.s32 s3, s2  }
0x8d: {  	s2 =	sadd.s32 s2, s17  }
0x8e: {  	[smem:$0x3FC2] =	sst s2  }
0x8f: {  	_ = 	snop  }
0x90: {  	s2 =	sld [smem:$0x3FD0];
	(tm) =	ssettm $0x1  }
0x91: {  	s18 =	sld [smem:$0x3FFB];
	_ =	sdelay $0x3  }
0x92: {  	_ =	strace s18  }
0x93: {  	s3 =	sld [smem:$0x3FFC];
	_ =	sdelay $0x3  }
0x94: {  	_ =	strace s3  }
0x95: {  	s3 =	sld [smem:$0x3FFD];
	_ =	sdelay $0x3  }
0x96: {  	_ =	strace s3  }
0x97: {  	_ =	strace $0x8FFFFFFF  }
0x98: {  	s19 =	sld [smem:$0x3FDB];
	_ =	sdelay $0x1  }
0x99: {  	s4 =	simm.s32 $_scs_section_size  }
0x9a: {  	s5 =	simm.s32 $_size__tile_overlayer_lowered;
	s6 =	simm.s32 $_tile_overlayer_lowered  }
0x9b: {  	s22 =	simm.s32 $0x1BFF;
	s21 =	sshll.u32 s6, $0x1;
	s3 =	sadd.s32 s4, s19  }
0x9c: {  	s7 =	simm.s32 $0x0;
	s20 =	sshll.u32 s5, $0x1;
	s5 =	sadd.s32 s21, s3  }
0x9d: {  	[timem:s7], [sflag:s22] =	dma.local [hbm:s5], s20  }
0x9e: {  	_ =	swait.ge [sflag:s22], s20  }
0x9f: {  	s4 =	ssub.s32 $0x0, s20;
	[sflag:s22] =	ssyncset.done $0x0  }
0xa0: {  	[sflag:s22] =	ssyncadd.s32 s4;
	_ =	sdelay $0x1  }
0xa1: {  	s23 =	simm.s32 $0x1B8B  }
0xa2: {  	_ =	swait.ge [sflag:s23], $0x1  }
0xa3: {  	[sflag:s23] =	ssyncset.done $0x0  }
0xa4: {  	s25 =	simm.s32 $0x1B8E;
	s24 =	sld [smem:$0x3FFE];
	[sflag:s23] =	ssyncadd.s32 $0xFFFFFFFF  }
0xa5: {  	s26 =	simm.s32 $execute0_lowered;
	[smem:$0x3FD2] =	sst s25  }
0xa6: {  	s5 =	sshll.u32 s26, $0x1;
	_ =	strace $0x80000046;
	[dreg:$0x1] =	wrdreg $0xFFFFFFFF  }
0xa7: {  	s28 =	simm.s32 $_size_execute0_lowered;
	s3 =	sadd.s32 s3, s5;
	[dreg:$0x0] =	wrdreg $0x0  }
0xa8: {  	s5 =	sshll.u32 s28, $0x1;
	[dreg:$0x2] =	wrdreg s3  }
0xa9: {  	[dreg:$0x3] =	wrdreg s5  }
0xaa: {  	[dreg:$0x4] =	wrdreg $0xC0  }
0xab: {  	_ =	task [dreg:s7], $0x5FFFF  }
0xac: {  	[dreg:$0x1] =	wrdreg $0xFFFFFFFF  }
0xad: {  	[dreg:$0x0] =	wrdreg $0x60  }
0xae: {  	[dreg:$0x2] =	wrdreg s2  }
0xaf: {  	[dreg:$0x3] =	wrdreg s24  }
0xb0: {  	[dreg:$0x4] =	wrdreg $0x0  }
0xb1: {  	[dreg:$0x5] =	wrdreg $0x140000  }
0xb2: {  	[dreg:$0x6] =	wrdreg $0x9  }
0xb3: {  	_ =	task.clear_ibuf [dreg:s7], $0x7FFFF;
	_ =	strace $0x90000046  }
0xb4: {  	s29 =	simm.s32 $0x9;
	_ =	strace $0x80000048  }
0xb5: {  	_ =	swait.ge [sflag:s29], $0x1  }
0xb6: {  	[sflag:s29] =	ssyncadd.s32 $0xFFFFFFFF  }
0xb7: {  	_ =	strace $0x90000048  }
0xb8: {  	_ =	sfence  }
0xb9: {  	s30 =	sld [smem:$0x0];
	_ =	sdelay $0x2  }
0xba: {  	s31 =	sshll.u32 s1, $0xD;
	s1 =	sshrl.u32 s1, $0x2  }
0xbb: {  	s3 =	sand.u32 $0x4000, s31;
	s1 =	sadd.s32 s1, s30  }
0xbc: {  	s0 =	sor.u32 s3, s0;
	s1 =	sshll.u32 s1, $0x11  }
0xbd: {  	s0 =	sor.u32 s1, s0  }
0xbe: {  	s0 =	sadd.s32 $0x8F2B, s0  }
0xbf: {  	[sflag:s0] =	ssyncadd.remote.s32 $0x1  }
0xc0: {  	_ =	sfence.sel $0xFFFF  }
0xc1: {  	[dreg:$0x0] =	wrdreg $0xFFFFFFFF;
	(pc) =	sbr.abs _section_cstart, $3  }
0xc2: {  	[dreg:$0x1] =	wrdreg $0xFFFFFFFF  }
0xc3: {  	_ =	task.clear_ibuf [dreg:s7], $0x2FFFF;
	_ =	strace $0x9FFFFFFF  }
0xc4: {  	(tm) =	ssettm $0x7FFFFFFF  }
0xc5: {  	_ =	shalt  }
tec
execute0_lowered:
.L_overlay_start_1:
0x0: {  	(tag) =	ssettag $0x1  }
0x1: {  	s1 =	rddreg [dreg:$0x0]  }
0x2: {  	s0 =	rddreg [dreg:$0x1]  }
0x3: {  	s2 =	srdreg.scid;
	s3 =	rddreg [dreg:$0x2]  }
0x4: {  	s21 =	stileid.u32;
	s5 =	rddreg [dreg:$0x3];
	s6 =	simm.s32 $0x0  }
0x5: {  	s29 =	simm.s32 $0x6;
	s30 =	simm.s32 $0x16A80;
	s4 =	smul.u32 $0x2800, s21  }
0x6: {  	s31 =	simm.s32 $0x80;
	s2 =	sand.u32 $0x1, s2;
	s9 =	smul.u32 $0x280, s21  }
0x7: {  	[smem:$0x7FF] =	sst s6;
	s8 =	sadd.s32 $0x10E00, s0;
	s17 =	smul.u32 $0x14000, s21  }
0x8: {  	s12 =	sadd.s32 $0x10C00, s0;
	s22 =	sadd.s32 $0x12000, s0;
	s7 =	smul.u32 $0x28000, s2  }
0x9: {  	_ =	strace $0x80000047;
	s10 =	smul.u32 $0x2800, s2;
	[dreg:$0x5] =	wrdreg s12  }
0xa: {  	s13 =	ssub.s32 $0x2, s2;
	s14 =	smul.u32 $0x140000, s2;
	p0 =	seq.s32 s2, $0x1  }
0xb: {  	p1 =	seq.s32 s2, $0x0;
	s15 =	sshrl.u32 s13, $0x1;
	s16 =	sshll.u32 s9, $0x7  }
0xc: {  	s7 =	sadd.s32 s4, s7;
	s10 =	sadd.s32 s9, s10;
	s23 =	sadd.s32 $0x4000, s16  }
0xd: {  	s18 =	sadd.s32 $0x8000, s16;
	s19 =	sadd.s32 $0xC000, s16;
	s17 =	sadd.s32 s17, s14  }
0xe: {  	s16 =	sadd.s32 $0x10000, s16;
	s7 =	sshrl.u32 s7, $0x3;
	s10 =	sshrl.u32 s10, $0x3  }
0xf: {  	s20 =	sadd.s32 s14, s23;
	s17 =	sshrl.u32 s17, $0x3;
	s25 =	sadd.s32 s14, s18  }
0x10: {  	s26 =	sadd.s32 s14, s19;
	s14 =	sadd.s32 s14, s16;
	s11 =	sadd.s32 s7, s0  }
0x11: {  	s7 =	sadd.s32 $0x1A00, s0;
	s20 =	sshrl.u32 s20, $0x3;
	s17 =	sadd.s32 s22, s17  }
0x12: {  	s10 =	sadd.s32 s10, s0;
	s0 =	sadd.s32 $0x10A00, s0;
	[dreg:$0x6] =	wrdreg s17  }
0x13: {  	s14 =	sshrl.u32 s14, $0x3;
	s24 =	sadd.s32 s22, s20;
	[dreg:$0xb] =	wrdreg s0  }
0x14: {  	p2 =	por !p0, !p0;
	s12 =	sadd.s32 s22, s14;
	[dreg:$0x7] =	wrdreg s24  }
0x15: {  	s13 =	ssub.s32 s13, s15;
	s11 =	sadd.s32 $0x6A00, s11;
	[dreg:$0xa] =	wrdreg s12  }
0x16: {  	s14 =	smul.u32 $0x50000, s21;
	s21 =	sadd.s32 s23, s3;
	[dreg:$0xc] =	wrdreg s11  }
0x17: {  	s15 =	simm.s32 $0x0;
	s23 =	sadd.s32 s19, s3;
	[dreg:$0xf] =	wrdreg s21  }
0x18: {  	s17 =	sshrl.u32 s25, $0x3;
	s25 =	sadd.s32 s9, s5;
	[dreg:$0x11] =	wrdreg s23  }
0x19: {  	s28 =	sshrl.u32 s26, $0x3;
	s26 =	sadd.s32 $0x11600, s10;
	[dreg:$0x13] =	wrdreg s25  }
0x1a: {  	s9 =	simm.s32 $0x1AB80;
	s17 =	sadd.s32 s22, s17;
	[dreg:$0x14] =	wrdreg s26  }
0x1b: {  	s10 =	simm.s32 $0x5;
	s24 =	sadd.s32 s16, s3;
	[dreg:$0x8] =	wrdreg s17  }
0x1c: {  	s11 =	simm.s32 $0x1;
	s17 =	sadd.s32 s22, s28;
	[dreg:$0x12] =	wrdreg s24  }
0x1d: {  	s12 =	simm.s32 $0x3;
	s22 =	sadd.s32 s18, s3;
	[dreg:$0x9] =	wrdreg s17  }
0x1e: {  	s20 =	sshrl.u32 s14, $0x2;
	s28 =	smax.u32 s13, $0x1;
	[dreg:$0x10] =	wrdreg s22  }
0x1f: {  	s17 =	sshrl.u32 s4, $0x3;
	s2 =	sadd.s32 s20, s3;
	[dreg:$0x15] =	wrdreg s28  }
0x20: {  	s13 =	simm.s32 $0x2;
	s0 =	sadd.s32 s7, s17;
	[dreg:$0xe] =	wrdreg s2  }
0x21: {  	s14 =	simm.s32 $0x4;
	[dreg:$0xd] =	wrdreg s0;
	s0 =	sadd.s32 $0x10, s0  }
0x22: {  	s2 =	simm.s32 $0x16B80;
	[dreg:$0x16] =	wrdreg s0;
	s0 =	simm.s32 $0x16B00  }
.LBB2_1:
0x23: {  	s16 =	rddreg [dreg:$0xc];
	s17 =	simm.s32 $0x14280  }
0x24: {  	[tilespmem:s17], [sflag:$0x6] =	stream.linear.gather [hbm4b:s16+s6], $0x2800, $0x38;
	[tilespmem:$0x1EC00] =	vst v63  }
0x25: {  	_ =	swait.ge [sflag:s29], $0x2800  }
0x26: {  	[sflag:s29] =	ssyncset.done $0x0  }
0x27: {  	s20 =	rddreg [dreg:$0xd];
	[sflag:s29] =	ssyncadd.s32 $0xFFFFD800  }
0x28: {  	[tilespmem:s30], [sflag:$0x3] =	stream.linear.gather [hbm4b:s20+s6], $0x80, $0x38;
	[tilespmem:$0x1EC00] =	vst v63  }
0x29: {  	_ = 	snop  }
0x2a: {  	[tilespmem:s2], [sflag:$0x1] =	stream.indirect.gather [hbm4b:s1+s31], $0x80, s17, s31, $0xb8;
	[tilespmem:$0x1EC00] =	vst v63  }
0x2b: {  	s21 =	rddreg [dreg:$0x16]  }
0x2c: {  	[tilespmem:s0], [sflag:$0x4] =	stream.linear.gather [hbm4b:s21+s6], $0x80, $0x38;
	[tilespmem:$0x1EC00] =	vst v63  }
0x2d: {  	s22 =	simm.s32 $0x14300  }
0x2e: {  	[tilespmem:s9], [sflag:$0x2] =	stream.indirect.gather [hbm4b:s1+s31], $0x80, s22, s31, $0xb8;
	[tilespmem:$0x1EC00] =	vst v63  }
0x2f: {  	s24 =	simm.s32 $0x1EB80;
	s23 =	rddreg [dreg:$0xb]  }
0x30: {  	[tilespmem:s24], [sflag:$0x6] =	stream.linear.gather [hbm4b:s23+s6], $0x80, $0x38;
	[tilespmem:$0x1EC00] =	vst v63  }
0x31: {  	_ =	swait.ge [sflag:s29], $0x80  }
0x32: {  	s25 =	stileid.u32;
	s26 =	rddreg [dreg:$0xe]  }
0x33: {  	s16 =	sshll.u32 s25, $0x6;
	[sflag:s29] =	ssyncset.done $0x0;
	s17 =	sshrl.u32 s26, $0x3  }
0x34: {  	s16 =	sor.u32 $0x1C05, s16;
	[sflag:s29] =	ssyncadd.s32 $0xFFFFFF80;
	[dreg:$0x17] =	wrdreg s17  }
0x35: {  	[spmem:s17], [sflag:s16] =	dma.local [hbm:s8], $0x800  }
0x36: {  	s17 =	rddreg [dreg:$0xf]  }
0x37: {  	s17 =	sshrl.u32 s17, $0x3  }
0x38: {  	[dreg:$0x18] =	wrdreg s17  }
0x39: {  	[spmem:s17], [sflag:s16] =	dma.local [hbm:s8], $0x800  }
0x3a: {  	s17 =	rddreg [dreg:$0x10]  }
0x3b: {  	s17 =	sshrl.u32 s17, $0x3  }
0x3c: {  	[dreg:$0x19] =	wrdreg s17  }
0x3d: {  	[spmem:s17], [sflag:s16] =	dma.local [hbm:s8], $0x800  }
0x3e: {  	s17 =	rddreg [dreg:$0x11]  }
0x3f: {  	s17 =	sshrl.u32 s17, $0x3  }
0x40: {  	[dreg:$0x1a] =	wrdreg s17  }
0x41: {  	[spmem:s17], [sflag:s16] =	dma.local [hbm:s8], $0x800  }
0x42: {  	s17 =	rddreg [dreg:$0x12]  }
0x43: {  	s17 =	sshrl.u32 s17, $0x3  }
0x44: {  	[dreg:$0x1b] =	wrdreg s17  }
0x45: {  	[spmem:s17], [sflag:s16] =	dma.local [hbm:s8], $0x800  }
0x46: {  	s17 =	rddreg [dreg:$0x13]  }
0x47: {  	s18 =	rddreg [dreg:$0x5];
	s23 =	sshrl.u32 s17, $0x3  }
0x48: {  	[spmem:s23], [sflag:s16] =	dma.local [hbm:s18], $0x50  }
0x49: {  	_ =	swait.ge [sflag:s10], $0x800  }
0x4a: {  	[sflag:s10] =	ssyncset.done $0x0  }
0x4b: {  	[sflag:s10] =	ssyncadd.s32 $0xFFFFF800  }
0x4c: {  	_ =	swait.ge [sflag:s10], $0x800  }
0x4d: {  	[sflag:s10] =	ssyncset.done $0x0  }
0x4e: {  	[sflag:s10] =	ssyncadd.s32 $0xFFFFF800  }
0x4f: {  	_ =	swait.ge [sflag:s10], $0x800  }
0x50: {  	[sflag:s10] =	ssyncset.done $0x0  }
0x51: {  	[sflag:s10] =	ssyncadd.s32 $0xFFFFF800  }
0x52: {  	_ =	swait.ge [sflag:s10], $0x800  }
0x53: {  	[sflag:s10] =	ssyncset.done $0x0  }
0x54: {  	[sflag:s10] =	ssyncadd.s32 $0xFFFFF800  }
0x55: {  	_ =	swait.ge [sflag:s10], $0x800  }
0x56: {  	[sflag:s10] =	ssyncset.done $0x0  }
0x57: {  	[sflag:s10] =	ssyncadd.s32 $0xFFFFF800  }
0x58: {  	_ =	swait.ge [sflag:s10], $0x50  }
0x59: {  	[sflag:s10] =	ssyncset.done $0x0  }
0x5a: {  	[sflag:s10] =	ssyncadd.s32 $0xFFFFFFB0  }
0x5b: {  	[bflag:$0x0] =	sbarrier.arrive $0xFFFF  }
0x5c: {  	_ =	swait.ge [sflag:s11], $0x4000  }
0x5d: {  	[sflag:s11] =	ssyncset.done $0x0  }
0x5e: {  	[sflag:s11] =	ssyncadd.s32 $0xFFFFC000  }
0x5f: {  	_ =	swait.ge [sflag:s12], $0x80  }
0x60: {  	p4 =	por $0x1, $0x1;
	p3 =	por p2, p2;
	[sflag:s12] =	ssyncset.done $0x0  }
0x61: {  	p3 =	por @!p4 p0, p0;
	[sflag:s12] =	ssyncadd.s32 $0xFFFFFF80  }
0x62: {  	[spmem:s3] =	stream.indirect.scatter.add.f32 [tilespmem:s2], [sflag:$0x6], $0x80, s30, s31, $0xb8;
	[tilespmem:$0x1EC00] =	vst v63  }
0x63: {  	s19 =	simm.s32 $0x100;
	s25 =	simm.s32 @p3 $0x16A80;
	_ =	swait.ge [sflag:s29], $0x4000  }
0x64: {  	s20 =	sand.u32 $0x7C00, s19;
	s24 =	simm.s32 @p3 $0x80;
	[sflag:s29] =	ssyncset.done $0x0  }
0x65: {  	s26 =	simm.s32 @p3 $0x1EB80;
	s18 =	simm.s32 @p3 $0x6;
	[sflag:s29] =	ssyncadd.s32 $0xFFFFC000  }
0x66: {  	[spmem:s5] =	stream.indirect.scatter.add.f32 @p3 [tilespmem:s26], [sflag:$0x6], $0x1, s25, s24, $0xb8;
	[tilespmem:$0x1EC00] =	vst v63  }
0x67: {  	s17 =	sand.u32 $0x300, s19;
	s25 =	sadd.s32 s4, s20;
	_ =	swait.ge @p3 [sflag:s18], $0x80  }
0x68: {  	s17 =	sor.u32 s17, s25;
	[sflag:s18] =	ssyncset.done @p3 $0x0  }
0x69: {  	s21 =	simm.s32 $0x14380;
	s17 =	sshrl.u32 s17, $0x3;
	[sflag:s18] =	ssyncadd.s32 @p3 $0xFFFFFF80  }
0x6a: {  	[tilespmem:s2], [sflag:$0x1] =	stream.indirect.gather [hbm4b:s1+s31], $0x80, s21, s31, $0xb8;
	[tilespmem:$0x1EC00] =	vst v63  }
0x6b: {  	s17 =	sadd.s32 s7, s17  }
0x6c: {  	[tilespmem:s30], [sflag:$0x3] =	stream.linear.gather [hbm4b:s17+s6], $0x80, $0x38;
	[tilespmem:$0x1EC00] =	vst v63  }
0x6d: {  	_ =	swait.ge [sflag:s13], $0x4000  }
0x6e: {  	[sflag:s13] =	ssyncset.done $0x0  }
0x6f: {  	[sflag:s13] =	ssyncadd.s32 $0xFFFFC000  }
0x70: {  	_ =	swait.ge [sflag:s14], $0x80  }
0x71: {  	[sflag:s14] =	ssyncset.done $0x0  }
0x72: {  	[sflag:s14] =	ssyncadd.s32 $0xFFFFFF80  }
0x73: {  	[spmem:s3] =	stream.indirect.scatter.add.f32 [tilespmem:s9], [sflag:$0x6], $0x80, s0, s31, $0xb8;
	[tilespmem:$0x1EC00] =	vst v63  }
0x74: {  	_ =	swait.ge [sflag:s29], $0x4000  }
0x75: {  	[sflag:s29] =	ssyncset.done $0x0  }
0x76: {  	s22 =	simm.s32 $0x180;
	s25 =	simm.s32 @p3 $0x16B00;
	[sflag:s29] =	ssyncadd.s32 $0xFFFFC000  }
0x77: {  	[spmem:s5] =	stream.indirect.scatter.add.f32 @p3 [tilespmem:s26], [sflag:$0x6], $0x1, s25, s24, $0xb8;
	[tilespmem:$0x1EC00] =	vst v63  }
0x78: {  	s28 =	simm.s32 $0x280;
	s17 =	sand.u32 $0x380, s22;
	s26 =	sand.u32 $0x7C00, s22  }
0x79: {  	s24 =	simm.s32 $0x14480;
	_ =	swait.ge @p3 [sflag:s18], $0x80;
	s25 =	sadd.s32 s4, s26  }
0x7a: {  	s26 =	simm.s32 $0x14400;
	[sflag:s18] =	ssyncset.done @p3 $0x0;
	s17 =	sor.u32 s17, s25  }
0x7b: {  	s25 =	simm.s32 $0x1;
	[sflag:s18] =	ssyncadd.s32 @p3 $0xFFFFFF80;
	s17 =	sshrl.u32 s17, $0x3  }
.LBB2_2:
0x7c: {  	[tilespmem:s9], [sflag:$0x2] =	stream.indirect.gather [hbm4b:s1+s31], $0x80, s26, s31, $0xb8;
	[tilespmem:$0x1EC00] =	vst v63  }
0x7d: {  	s18 =	sadd.s32 s7, s17;
	s17 =	smov.u32 s28;
	s28 =	sadd.s32 $0x100, s28  }
0x7e: {  	[tilespmem:s0], [sflag:$0x4] =	stream.linear.gather [hbm4b:s18+s6], $0x80, $0x38;
	[tilespmem:$0x1EC00] =	vst v63  }
0x7f: {  	s26 =	smov.u32 s24;
	p3 =	sne.s32 s28, $0x2880;
	_ =	swait.ge [sflag:s11], $0x4000  }
0x80: {  	[sflag:s11] =	ssyncset.done $0x0  }
0x81: {  	[sflag:s11] =	ssyncadd.s32 $0xFFFFC000  }
0x82: {  	_ =	swait.ge [sflag:s12], $0x80  }
0x83: {  	[sflag:s12] =	ssyncset.done $0x0  }
0x84: {  	p5 =	slt.u32 s25, $0x14;
	p4 =	por p2, p2;
	[sflag:s12] =	ssyncadd.s32 $0xFFFFFF80  }
0x85: {  	[spmem:s3] =	stream.indirect.scatter.add.f32 [tilespmem:s2], [sflag:$0x6], $0x80, s30, s31, $0xb8;
	[tilespmem:$0x1EC00] =	vst v63  }
0x86: {  	p4 =	por @!p5 p0, p0;
	s18 =	sadd.s32 $0xFFFFFF80, s17;
	_ =	swait.ge [sflag:s29], $0x4000  }
0x87: {  	s19 =	simm.s32 @p4 $0x80;
	s20 =	simm.s32 @p4 $0x16A80;
	[sflag:s29] =	ssyncset.done $0x0  }
0x88: {  	s21 =	simm.s32 @p4 $0x1EB80;
	s22 =	simm.s32 @p4 $0x6;
	[sflag:s29] =	ssyncadd.s32 $0xFFFFC000  }
0x89: {  	[spmem:s5] =	stream.indirect.scatter.add.f32 @p4 [tilespmem:s21], [sflag:$0x6], $0x1, s20, s19, $0xb8;
	[tilespmem:$0x1EC00] =	vst v63  }
0x8a: {  	s20 =	sand.u32 $0x7C00, s18;
	s18 =	sand.u32 $0x300, s18;
	_ =	swait.ge @p4 [sflag:s22], $0x80  }
0x8b: {  	s20 =	sadd.s32 s4, s20;
	[sflag:s22] =	ssyncset.done @p4 $0x0  }
0x8c: {  	s18 =	sor.u32 s18, s20;
	[sflag:s22] =	ssyncadd.s32 @p4 $0xFFFFFF80  }
0x8d: {  	[tilespmem:s2], [sflag:$0x1] =	stream.indirect.gather [hbm4b:s1+s31], $0x80, s24, s31, $0xb8;
	[tilespmem:$0x1EC00] =	vst v63  }
0x8e: {  	s18 =	sshrl.u32 s18, $0x3  }
0x8f: {  	s18 =	sadd.s32 s7, s18  }
0x90: {  	[tilespmem:s30], [sflag:$0x3] =	stream.linear.gather [hbm4b:s18+s6], $0x80, $0x38;
	[tilespmem:$0x1EC00] =	vst v63  }
0x91: {  	_ =	swait.ge [sflag:s13], $0x4000  }
0x92: {  	[sflag:s13] =	ssyncset.done $0x0  }
0x93: {  	[sflag:s13] =	ssyncadd.s32 $0xFFFFC000  }
0x94: {  	_ =	swait.ge [sflag:s14], $0x80  }
0x95: {  	[sflag:s14] =	ssyncset.done $0x0  }
0x96: {  	[sflag:s14] =	ssyncadd.s32 $0xFFFFFF80  }
0x97: {  	[spmem:s3] =	stream.indirect.scatter.add.f32 [tilespmem:s9], [sflag:$0x6], $0x80, s0, s31, $0xb8;
	[tilespmem:$0x1EC00] =	vst v63  }
0x98: {  	_ =	swait.ge [sflag:s29], $0x4000  }
0x99: {  	s20 =	sand.u32 $0x7C00, s17;
	s18 =	simm.s32 @p4 $0x16B00;
	[sflag:s29] =	ssyncset.done $0x0  }
.Ltmp0:
0x9a: {  	s24 =	sadd.s32 $0x100, s24;
	[sflag:s29] =	ssyncadd.s32 $0xFFFFC000;
	(pc) =	sbr.rel @p3 .LBB2_2-.Ltmp0, $4  }
0x9b: {  	[spmem:s5] =	stream.indirect.scatter.add.f32 @p4 [tilespmem:s21], [sflag:$0x6], $0x1, s18, s19, $0xb8;
	[tilespmem:$0x1EC00] =	vst v63  }
0x9c: {  	s17 =	sand.u32 $0x380, s17;
	s18 =	sadd.s32 s4, s20;
	_ =	swait.ge @p4 [sflag:s22], $0x80  }
0x9d: {  	s25 =	sadd.s32 $0x1, s25;
	s17 =	sor.u32 s17, s18;
	[sflag:s22] =	ssyncset.done @p4 $0x0  }
0x9e: {  	s26 =	sadd.s32 $0x80, s26;
	s17 =	sshrl.u32 s17, $0x3;
	[sflag:s22] =	ssyncadd.s32 @p4 $0xFFFFFF80  }
0x9f: {  	[tilespmem:s9], [sflag:$0x2] =	stream.indirect.gather [hbm4b:s1+s31], $0x80, s26, s31, $0xb8;
	[tilespmem:$0x1EC00] =	vst v63  }
0xa0: {  	s17 =	sadd.s32 s7, s17  }
0xa1: {  	[tilespmem:s0], [sflag:$0x4] =	stream.linear.gather [hbm4b:s17+s6], $0x80, $0x38;
	[tilespmem:$0x1EC00] =	vst v63  }
0xa2: {  	_ =	swait.ge [sflag:s11], $0x4000  }
0xa3: {  	[sflag:s11] =	ssyncset.done $0x0  }
0xa4: {  	[sflag:s11] =	ssyncadd.s32 $0xFFFFC000  }
0xa5: {  	_ =	swait.ge [sflag:s12], $0x80  }
0xa6: {  	[sflag:s12] =	ssyncset.done $0x0  }
0xa7: {  	[sflag:s12] =	ssyncadd.s32 $0xFFFFFF80  }
0xa8: {  	[spmem:s3] =	stream.indirect.scatter.add.f32 [tilespmem:s2], [sflag:$0x6], $0x80, s30, s31, $0xb8;
	[tilespmem:$0x1EC00] =	vst v63  }
0xa9: {  	_ =	swait.ge [sflag:s29], $0x4000  }
0xaa: {  	[sflag:s29] =	ssyncset.done $0x0  }
0xab: {  	s17 =	simm.s32 @p1 $0x2;
	[sflag:s29] =	ssyncadd.s32 $0xFFFFC000  }
0xac: {  	_ =	swait.ge @p1 [sflag:s17], $0x4000  }
0xad: {  	[sflag:s17] =	ssyncset.done @p1 $0x0  }
0xae: {  	[sflag:s17] =	ssyncadd.s32 @p1 $0xFFFFC000;
	s17 =	simm.s32 @p1 $0x4  }
0xaf: {  	_ =	swait.ge @p1 [sflag:s17], $0x80  }
0xb0: {  	s18 =	simm.s32 @p1 $0x16B00;
	[sflag:s17] =	ssyncset.done @p1 $0x0  }
0xb1: {  	s19 =	simm.s32 @p1 $0x1AB80;
	[sflag:s17] =	ssyncadd.s32 @p1 $0xFFFFFF80;
	s17 =	simm.s32 @p1 $0x80  }
0xb2: {  	[spmem:s3] =	stream.indirect.scatter.add.f32 @p1 [tilespmem:s19], [sflag:$0x6], $0x80, s18, s17, $0xb8;
	[tilespmem:$0x1EC00] =	vst v63  }
0xb3: {  	s17 =	simm.s32 @p1 $0x6  }
0xb4: {  	_ =	swait.ge @p1 [sflag:s17], $0x4000  }
0xb5: {  	s18 =	simm.s32 @!p1 $0x16A80;
	[sflag:s17] =	ssyncset.done @p1 $0x0  }
0xb6: {  	s19 =	simm.s32 @!p1 $0x1EB80;
	[sflag:s17] =	ssyncadd.s32 @p1 $0xFFFFC000;
	s17 =	simm.s32 @!p1 $0x80  }
0xb7: {  	[spmem:s5] =	stream.indirect.scatter.add.f32 @!p1 [tilespmem:s19], [sflag:$0x6], $0x1, s18, s17, $0xb8;
	[tilespmem:$0x1EC00] =	vst v63  }
0xb8: {  	s18 =	simm.s32 @!p1 $0x6  }
0xb9: {  	_ =	swait.ge @!p1 [sflag:s18], $0x80  }
0xba: {  	[sflag:s18] =	ssyncset.done @!p1 $0x0  }
0xbb: {  	s20 =	simm.s32 @!p1 $0x2;
	[sflag:s18] =	ssyncadd.s32 @!p1 $0xFFFFFF80  }
0xbc: {  	_ =	swait.ge @!p1 [sflag:s20], $0x4000  }
0xbd: {  	[sflag:s20] =	ssyncset.done @!p1 $0x0  }
0xbe: {  	[sflag:s20] =	ssyncadd.s32 @!p1 $0xFFFFC000;
	s20 =	simm.s32 @!p1 $0x4  }
0xbf: {  	_ =	swait.ge @!p1 [sflag:s20], $0x80  }
0xc0: {  	[sflag:s20] =	ssyncset.done @!p1 $0x0  }
0xc1: {  	s21 =	simm.s32 @!p1 $0x1AB80;
	[sflag:s20] =	ssyncadd.s32 @!p1 $0xFFFFFF80;
	s20 =	simm.s32 @!p1 $0x16B00  }
0xc2: {  	[spmem:s3] =	stream.indirect.scatter.add.f32 @!p1 [tilespmem:s21], [sflag:$0x6], $0x80, s20, s17, $0xb8;
	[tilespmem:$0x1EC00] =	vst v63  }
0xc3: {  	_ =	swait.ge @!p1 [sflag:s18], $0x4000  }
0xc4: {  	[sflag:s18] =	ssyncset.done @!p1 $0x0  }
0xc5: {  	[sflag:s18] =	ssyncadd.s32 @!p1 $0xFFFFC000  }
0xc6: {  	[spmem:s5] =	stream.indirect.scatter.add.f32 @!p1 [tilespmem:s19], [sflag:$0x6], $0x1, s20, s17, $0xb8;
	[tilespmem:$0x1EC00] =	vst v63  }
0xc7: {  	_ =	swait.ge @!p1 [sflag:s18], $0x80  }
0xc8: {  	[sflag:s18] =	ssyncset.done @!p1 $0x0  }
0xc9: {  	[sflag:s18] =	ssyncadd.s32 @!p1 $0xFFFFFF80  }
0xca: {  	[bflag:$0x0] =	sbarrier.arrive $0xFFFF  }
0xcb: {  	s25 =	rddreg [dreg:$0x6]  }
0xcc: {  	s26 =	rddreg [dreg:$0x17]  }
0xcd: {  	[hbm:s25], [sflag:s16] =	dma.local [spmem:s26], $0x800  }
0xce: {  	s17 =	rddreg [dreg:$0x7]  }
0xcf: {  	s18 =	rddreg [dreg:$0x18]  }
0xd0: {  	[hbm:s17], [sflag:s16] =	dma.local [spmem:s18], $0x800  }
0xd1: {  	s17 =	rddreg [dreg:$0x8]  }
0xd2: {  	s18 =	rddreg [dreg:$0x19]  }
0xd3: {  	[hbm:s17], [sflag:s16] =	dma.local [spmem:s18], $0x800  }
0xd4: {  	s17 =	rddreg [dreg:$0x9]  }
0xd5: {  	s18 =	rddreg [dreg:$0x1a]  }
0xd6: {  	[hbm:s17], [sflag:s16] =	dma.local [spmem:s18], $0x800  }
0xd7: {  	s17 =	rddreg [dreg:$0xa]  }
0xd8: {  	s18 =	rddreg [dreg:$0x1b]  }
0xd9: {  	[hbm:s17], [sflag:s16] =	dma.local [spmem:s18], $0x800  }
0xda: {  	s17 =	rddreg [dreg:$0x14]  }
0xdb: {  	[hbm:s17], [sflag:s16] =	dma.local [spmem:s23], $0x50  }
0xdc: {  	_ =	swait.ge [sflag:s10], $0x800  }
0xdd: {  	[sflag:s10] =	ssyncset.done $0x0  }
0xde: {  	[sflag:s10] =	ssyncadd.s32 $0xFFFFF800  }
0xdf: {  	_ =	swait.ge [sflag:s10], $0x800  }
0xe0: {  	[sflag:s10] =	ssyncset.done $0x0  }
0xe1: {  	[sflag:s10] =	ssyncadd.s32 $0xFFFFF800  }
0xe2: {  	_ =	swait.ge [sflag:s10], $0x800  }
0xe3: {  	[sflag:s10] =	ssyncset.done $0x0  }
0xe4: {  	[sflag:s10] =	ssyncadd.s32 $0xFFFFF800  }
0xe5: {  	_ =	swait.ge [sflag:s10], $0x800  }
0xe6: {  	[sflag:s10] =	ssyncset.done $0x0  }
0xe7: {  	[sflag:s10] =	ssyncadd.s32 $0xFFFFF800  }
0xe8: {  	_ =	swait.ge [sflag:s10], $0x800  }
0xe9: {  	[sflag:s10] =	ssyncset.done $0x0  }
0xea: {  	[sflag:s10] =	ssyncadd.s32 $0xFFFFF800  }
0xeb: {  	_ =	swait.ge [sflag:s10], $0x50  }
0xec: {  	s15 =	sadd.s32 $0x1, s15;
	s28 =	rddreg [dreg:$0x15]  }
0xed: {  	p3 =	sne.s32 s15, s28  }
.Ltmp1:
0xee: {  	_ = 	snop;
	(pc) =	sbr.rel @p3 .LBB2_1-.Ltmp1, $3  }
0xef: {  	_ =	sdelay $0x1  }
0xf0: {  	[sflag:s10] =	ssyncset.done $0x0  }
0xf1: {  	[sflag:s10] =	ssyncadd.s32 $0xFFFFFFB0  }
0xf2: {  	_ =	sfence.sel $0x180000  }
0xf3: {  	[bflag:$0x0] =	sbarrier.arrive $0xFFFF  }
0xf4: {  	_ =	strace $0x90000047  }
0xf5: {  	s0 =	stileid.u32;
	[bflag:$0x2] =	sbarrier.arrive $0xFFFF  }
0xf6: {  	p0 =	sne.s32 s0, $0x0;
	s0 =	rddreg [dreg:$0x4]  }
0xf7: {  	s0 =	sadd.s32 @!p0 $0x100000, s0  }
0xf8: {  	[sflag:s0] =	ssyncadd.tile.s32 @!p0 $0x1;
	_ =	shalt  }
.Lfunc_end2:
_tile_overlayer_lowered:
.L_overlay_start_2:
0xf9: {  	(tag) =	ssettag $0x2  }
0xfa: {  	s0 =	rddreg [dreg:$0x0];
	s2 =	stileid.u32  }
0xfb: {  	s1 =	rddreg [dreg:$0x1];
	p0 =	sne.s32 s2, $0x0  }
0xfc: {  	s3 =	rddreg [dreg:$0x2];
	[bflag:$0x3] =	sbarrier.arrive $0xFFFF;
	s2 =	simm.s32 @!p0 $0x1C06  }
0xfd: {  	[timem:s3], [sflag:s2] =	dma.local @!p0 [hbm:s0], s1  }
0xfe: {  	s0 =	simm.s32 @!p0 $0x6  }
0xff: {  	_ =	swait.ge @!p0 [sflag:s0], s1  }
0x100: {  	s1 =	ssub.s32 @!p0 $0x0, s1;
	[sflag:s0] =	ssyncset.done @!p0 $0x0  }
0x101: {  	[sflag:s0] =	ssyncadd.s32 @!p0 s1  }
0x102: {  	[bflag:$0x3] =	sbarrier.arrive $0xFFFF  }
0x103: {  	_ =	shalt  }

</sc_bundles>
